<compile_context>
chip_gen: v7x
topology: tpu7x:2x2x1
jax: 0.10.2.dev20260603
libtpu: 0.0.44.dev20260713+nightly
codegen_flags: <defaults>
</compile_context>

<pallas_src>
import functools

import jax
import jax.numpy as jnp
from jax import lax
from jax.experimental import pallas as pl
from jax.experimental.pallas import tpu as pltpu
from jax.experimental.pallas import tpu_sc as plsc

B, S, D = 2, 2048, 768
E, K, H = 64, 2, 64
OUT = 768
N = B * S
NK = N * K
C = 3 * (NK // E)
EC = E * C
T = 512
NT = N // T
FBLK = 128
FNB = C // FBLK

NC, NS = 2, 16
NW = NC * NS
TPW = N // NW


def _gate_body(x_ref, gw1_ref, gw2_ref,
               d1_ref, d2_ref, g1_ref, g2_ref, s1_ref, s2_ref, loss_ref,
               nblk_ref, xbf_ref, run_ref, imp_ref, load_ref):
    i = pl.program_id(0)

    @pl.when(i == 0)
    def _():
        run_ref[...] = jnp.zeros((1, E), jnp.float32)
        imp_ref[...] = jnp.zeros((1, E), jnp.float32)
        load_ref[...] = jnp.zeros((1, E), jnp.float32)

    xb = x_ref[...]
    xb16 = lax.bitcast_convert_type(xb.astype(jnp.bfloat16), jnp.uint16)
    lo32 = xb16[:, :D // 2].astype(jnp.uint32)
    hi32 = xb16[:, D // 2:].astype(jnp.uint32)
    xbf_ref[...] = lax.bitcast_convert_type((hi32 << 16) | lo32, jnp.int32)
    f1 = jnp.tanh(lax.dot_general(xb, gw1_ref[...], (((1,), (1,)), ((), ())),
                                  preferred_element_type=jnp.float32))
    logits = lax.dot_general(f1, gw2_ref[...], (((1,), (1,)), ((), ())),
                             preferred_element_type=jnp.float32)

    eidx = lax.broadcasted_iota(jnp.int32, (T, E), 1)
    m1 = jnp.max(logits, axis=1, keepdims=True)
    i1 = jnp.min(jnp.where(logits == m1, eidx, E), axis=1, keepdims=True)
    masked = jnp.where(eidx == i1, -jnp.inf, logits)
    m2 = jnp.max(masked, axis=1, keepdims=True)
    i2 = jnp.min(jnp.where(masked == m2, eidx, E), axis=1, keepdims=True)

    es = jnp.exp(m2 - m1)
    s1 = 1.0 / (1.0 + es)
    s2 = es * s1

    oh1 = (eidx == i1).astype(jnp.float32)
    oh2 = (eidx == i2).astype(jnp.float32)
    ohs = oh1 + oh2

    imp_ref[...] += jnp.sum(oh1 * s1 + oh2 * s2, axis=0, keepdims=True)
    load_tile = jnp.sum(ohs, axis=0, keepdims=True)
    load_ref[...] += load_tile

    rr = lax.broadcasted_iota(jnp.int32, (T, T), 0)
    cc = lax.broadcasted_iota(jnp.int32, (T, T), 1)
    tri = (cc < rr).astype(jnp.float32)
    pref = lax.dot_general(tri.astype(jnp.bfloat16), ohs.astype(jnp.bfloat16),
                           (((1,), (0,)), ((), ())),
                           preferred_element_type=jnp.float32)
    tot = run_ref[...] + pref
    rank1 = jnp.round(jnp.sum(tot * oh1, axis=1, keepdims=True))
    rank2 = jnp.round(jnp.sum(tot * oh2, axis=1, keepdims=True))
    run_ref[...] += load_tile

    cap = jnp.float32(C)
    keep1 = rank1 < cap
    keep2 = rank2 < cap
    s1_ref[...] = jnp.broadcast_to(jnp.where(keep1, s1, 0.0), (T, 16))
    s2_ref[...] = jnp.broadcast_to(jnp.where(keep2, s2, 0.0), (T, 16))
    slot1 = jnp.minimum(rank1, cap - 1.0).astype(jnp.int32)
    slot2 = jnp.minimum(rank2, cap - 1.0).astype(jnp.int32)
    comb1 = i1 * C + slot1
    comb2 = i2 * C + slot2
    g1_ref[...] = comb1.reshape(T)
    g2_ref[...] = comb2.reshape(T)
    d1_ref[...] = jnp.where(keep1, comb1, EC).reshape(T)
    d2_ref[...] = jnp.where(keep2, comb2, EC).reshape(T)

    @pl.when(i == NT - 1)
    def _():
        def cv2(v):
            mean = jnp.sum(v) / E
            var = jnp.sum((v - mean) * (v - mean)) / (E - 1)
            return var / (mean * mean + 1e-10)
        loss = (cv2(imp_ref[...]) + cv2(load_ref[...])) * 0.01
        loss_ref[...] = jnp.full((8, 128), loss, jnp.float32)
        cnt = jnp.minimum(run_ref[...], jnp.float32(C))
        nb = jnp.clip(jnp.ceil(cnt * (1.0 / FBLK)), 1.0, C // FBLK)
        pad = jnp.zeros((1, 128 - E), jnp.float32)
        nblk_ref[...] = jnp.broadcast_to(
            jnp.concatenate([nb, pad], axis=1), (8, 128)).astype(jnp.int32)


_gate_call = pl.pallas_call(
    _gate_body,
    grid=(NT,),
    in_specs=[
        pl.BlockSpec((T, D), lambda i: (i, 0)),
        pl.BlockSpec((E, D), lambda i: (0, 0)),
        pl.BlockSpec((E, E), lambda i: (0, 0)),
    ],
    out_specs=[
        pl.BlockSpec((T,), lambda i: (i,)),
        pl.BlockSpec((T,), lambda i: (i,)),
        pl.BlockSpec((T,), lambda i: (i,)),
        pl.BlockSpec((T,), lambda i: (i,)),
        pl.BlockSpec((T, 16), lambda i: (i, 0)),
        pl.BlockSpec((T, 16), lambda i: (i, 0)),
        pl.BlockSpec((8, 128), lambda i: (0, 0)),
        pl.BlockSpec((8, 128), lambda i: (0, 0)),
        pl.BlockSpec((T, D // 2), lambda i: (i, 0)),
    ],
    out_shape=[
        jax.ShapeDtypeStruct((N,), jnp.int32),
        jax.ShapeDtypeStruct((N,), jnp.int32),
        jax.ShapeDtypeStruct((N,), jnp.int32),
        jax.ShapeDtypeStruct((N,), jnp.int32),
        jax.ShapeDtypeStruct((N, 16), jnp.float32),
        jax.ShapeDtypeStruct((N, 16), jnp.float32),
        jax.ShapeDtypeStruct((8, 128), jnp.float32),
        jax.ShapeDtypeStruct((8, 128), jnp.int32),
        jax.ShapeDtypeStruct((N, D // 2), jnp.int32),
    ],
    scratch_shapes=[
        pltpu.VMEM((1, E), jnp.float32),
        pltpu.VMEM((1, E), jnp.float32),
        pltpu.VMEM((1, E), jnp.float32),
    ],
)


def _dispatch_body(x_hbm, d1_hbm, d2_hbm, xd_hbm, xbuf, d1v, d2v, sem, sem2):
    wid = lax.axis_index("s") * NC + lax.axis_index("c")
    base = wid * TPW
    pltpu.sync_copy(d1_hbm.at[pl.ds(base, TPW)], d1v)
    pltpu.sync_copy(d2_hbm.at[pl.ds(base, TPW)], d2v)
    pltpu.sync_copy(x_hbm.at[pl.ds(base, TPW)], xbuf)
    h1 = pltpu.async_copy(xbuf, xd_hbm.at[d1v], sem)
    h2 = pltpu.async_copy(xbuf, xd_hbm.at[d2v], sem2)
    h1.wait()
    h2.wait()


@functools.cache
def _dispatch_call():
    return pl.kernel(
        _dispatch_body,
        out_type=jax.ShapeDtypeStruct((EC + 8, D // 2), jnp.int32),
        mesh=plsc.VectorSubcoreMesh(core_axis_name="c", subcore_axis_name="s",
                                    num_cores=NC, num_subcores=NS),
        scratch_types=[
            pltpu.VMEM((TPW, D // 2), jnp.int32),
            pltpu.VMEM((TPW,), jnp.int32),
            pltpu.VMEM((TPW,), jnp.int32),
            pltpu.SemaphoreType.DMA,
            pltpu.SemaphoreType.DMA,
        ],
    )


def _ffn_body(xd_ref, wu_ref, bu_ref, wd_ref, bd_ref, yd_ref):
    w32 = lax.bitcast_convert_type(xd_ref[...], jnp.uint32)
    lo = lax.bitcast_convert_type((w32 & 0xFFFF).astype(jnp.uint16),
                                  jnp.bfloat16)
    hi = lax.bitcast_convert_type((w32 >> 16).astype(jnp.uint16),
                                  jnp.bfloat16)
    wu = wu_ref[0].astype(jnp.bfloat16)
    up = (lax.dot_general(lo, wu[:, :D // 2], (((1,), (1,)), ((), ())),
                          preferred_element_type=jnp.float32)
          + lax.dot_general(hi, wu[:, D // 2:], (((1,), (1,)), ((), ())),
                            preferred_element_type=jnp.float32)
          + bu_ref[0])
    h = (up * (1.0 / (1.0 + jnp.exp(-up)))).astype(jnp.bfloat16)
    dn = lax.dot_general(h, wd_ref[0].astype(jnp.bfloat16),
                         (((1,), (0,)), ((), ())),
                         preferred_element_type=jnp.float32) + bd_ref[0]
    dn16 = lax.bitcast_convert_type(dn.astype(jnp.bfloat16), jnp.uint16)
    dlo = dn16[:, :OUT // 2].astype(jnp.uint32)
    dhi = dn16[:, OUT // 2:].astype(jnp.uint32)
    yd_ref[...] = lax.bitcast_convert_type((dhi << 16) | dlo, jnp.int32)


_ffn_call = pl.pallas_call(
    _ffn_body,
    grid=(E,),
    in_specs=[
        pl.BlockSpec((C, D // 2), lambda e: (e, 0)),
        pl.BlockSpec((1, H, D), lambda e: (e, 0, 0)),
        pl.BlockSpec((1, 1, H), lambda e: (e, 0, 0)),
        pl.BlockSpec((1, H, OUT), lambda e: (e, 0, 0)),
        pl.BlockSpec((1, 1, OUT), lambda e: (e, 0, 0)),
    ],
    out_specs=pl.BlockSpec((C, OUT // 2), lambda e: (e, 0)),
    out_shape=jax.ShapeDtypeStruct((EC, OUT // 2), jnp.int32),
)


_CCH = 64


def _combine_body(yd_hbm, d1_hbm, d2_hbm, y1_hbm, y2_hbm,
                  buf1, buf2, d1v, d2v, sem1, sem2):
    wid = lax.axis_index("s") * NC + lax.axis_index("c")
    base = wid * TPW
    for ch in range(TPW // _CCH):
        off = base + ch * _CCH
        pltpu.sync_copy(d1_hbm.at[pl.ds(off, _CCH)], d1v)
        pltpu.sync_copy(d2_hbm.at[pl.ds(off, _CCH)], d2v)
        h1 = pltpu.async_copy(yd_hbm.at[d1v], buf1, sem1)
        h2 = pltpu.async_copy(yd_hbm.at[d2v], buf2, sem2)
        h1.wait()
        h2.wait()
        pltpu.sync_copy(buf1, y1_hbm.at[pl.ds(off, _CCH)])
        pltpu.sync_copy(buf2, y2_hbm.at[pl.ds(off, _CCH)])


@functools.cache
def _combine_call():
    return pl.kernel(
        _combine_body,
        out_type=(jax.ShapeDtypeStruct((N, OUT // 2), jnp.int32),
                  jax.ShapeDtypeStruct((N, OUT // 2), jnp.int32)),
        mesh=plsc.VectorSubcoreMesh(core_axis_name="c", subcore_axis_name="s",
                                    num_cores=NC, num_subcores=NS),
        scratch_types=[
            pltpu.VMEM((_CCH, OUT // 2), jnp.int32),
            pltpu.VMEM((_CCH, OUT // 2), jnp.int32),
            pltpu.VMEM((_CCH,), jnp.int32),
            pltpu.VMEM((_CCH,), jnp.int32),
            pltpu.SemaphoreType.DMA,
            pltpu.SemaphoreType.DMA,
        ],
    )


def _wadd_body(y1_ref, y2_ref, s1_ref, s2_ref, y_ref):
    def dec_lo(w32):
        return lax.bitcast_convert_type(w32 << 16, jnp.float32)

    def dec_hi(w32):
        return lax.bitcast_convert_type(w32 & jnp.int32(-65536), jnp.float32)

    w1 = y1_ref[...]
    w2 = y2_ref[...]
    s1 = s1_ref[:, :1]
    s2 = s2_ref[:, :1]
    y_ref[:, :OUT // 2] = s1 * dec_lo(w1) + s2 * dec_lo(w2)
    y_ref[:, OUT // 2:] = s1 * dec_hi(w1) + s2 * dec_hi(w2)


_wadd_call = pl.pallas_call(
    _wadd_body,
    grid=(NT,),
    in_specs=[
        pl.BlockSpec((T, OUT // 2), lambda i: (i, 0)),
        pl.BlockSpec((T, OUT // 2), lambda i: (i, 0)),
        pl.BlockSpec((T, 16), lambda i: (i, 0)),
        pl.BlockSpec((T, 16), lambda i: (i, 0)),
    ],
    out_specs=pl.BlockSpec((T, OUT), lambda i: (i, 0)),
    out_shape=jax.ShapeDtypeStruct((N, OUT), jnp.float32),
)


@jax.jit
def kernel(x, gate_w1, gate_w2, w_up, b_up, w_down, b_down):
    orig_shape = x.shape
    xf = x.reshape(-1, D)

    d1c, d2c, g1c, g2c, s1c, s2c, loss_arr, nblk_arr, xbf = _gate_call(
        xf, gate_w1, gate_w2)

    xd = _dispatch_call()(xbf, d1c, d2c)
    del nblk_arr
    yd = _ffn_call(xd, w_up, b_up.reshape(E, 1, H),
                   jnp.transpose(w_down, (0, 2, 1)),
                   b_down.reshape(E, 1, OUT))
    y1p, y2p = _combine_call()(yd, g1c, g2c)
    y = _wadd_call(y1p, y2p, s1c, s2c)

    return y.reshape(orig_shape[:-1] + (OUT,)), loss_arr[0, 0]

# --- scband reference (transcript-rebuilt; emitter-appended) ---
"""Pipeline reference for scband-linear-glumo-elayer-29600914604410 (READ-ONLY COPY).

The authoritative reference and input builder live on the scoring server;
editing this copy changes nothing except your own understanding.
"""

import jax, jax.numpy as jnp
import numpy as np

B, S, D = 2, 2048, 768
E, K, H_PER = 64, 2, 64
OUT = 768

def setup_inputs(seed: int = 0) -> dict:
    key = jax.random.key(seed)
    ks = jax.random.split(key, 8)
    x = jax.random.normal(ks[0], (B, S, D), jnp.float32)
    gate_w1 = jax.random.normal(ks[1], (E, D), jnp.float32) / np.sqrt(D)
    gate_w2 = jax.random.normal(ks[2], (E, E), jnp.float32) / np.sqrt(E)
    w_up = jax.random.normal(ks[3], (E, H_PER, D), jnp.float32) / np.sqrt(D)
    b_up = jax.random.uniform(ks[4], (E, H_PER), jnp.float32, -1.0 / np.sqrt(D), 1.0 / np.sqrt(D))
    w_down = jax.random.normal(ks[5], (E, OUT, H_PER), jnp.float32) / np.sqrt(H_PER)
    b_down = jax.random.uniform(ks[6], (E, OUT), jnp.float32, -1.0 / np.sqrt(H_PER), 1.0 / np.sqrt(H_PER))
    return {"x": x, "gate_w1": gate_w1, "gate_w2": gate_w2, "w_up": w_up, "b_up": b_up, "w_down": w_down, "b_down": b_down}

def _cv_squared(v, eps=1e-10):
    # torch .var() is unbiased (ddof=1)
    return jnp.var(v, ddof=1) / (jnp.mean(v) ** 2 + eps)

def reference(x, gate_w1, gate_w2, w_up, b_up, w_down, b_down):
    orig_shape = x.shape
    d = orig_shape[-1]
    xf = x.reshape(-1, d)
    N = xf.shape[0]
    nE = gate_w2.shape[0]
    # TopKBalancedNoisyGate (eval mode: no noise), mlp gate network
    logits = jnp.tanh(xf @ gate_w1.T) @ gate_w2.T
    m = min(K + 1, nE)
    top_logits, top_idx = jax.lax.top_k(logits, m)
    tk_logits = top_logits[:, :K]
    tk_idx = top_idx[:, :K]
    tk_scores = jax.nn.softmax(tk_logits.astype(jnp.float32), axis=1).astype(logits.dtype)
    rows = jnp.arange(N)[:, None]
    scores_full = jnp.zeros((N, nE), logits.dtype).at[rows, tk_idx].set(tk_scores)
    importance = scores_full.sum(0)
    load = (scores_full > 0).sum(0).astype(jnp.float32)
    balance_loss = (_cv_squared(importance) + _cv_squared(load)) * 0.01
    # UniversalCalculator dispatch: sort-by-expert gather, per-expert GLU-less MLP, scatter-add
    flat_e = tk_idx.reshape(-1)
    flat_b = jnp.repeat(jnp.arange(N), K)
    flat_s = tk_scores.reshape(-1)
    NK = N * K
    C = 3 * (NK // nE)  # fixed expert capacity, ~3x average load (drop prob negligible)
    x_pad = jnp.concatenate([xf, jnp.zeros((1, d), xf.dtype)], axis=0)
    fb_pad = jnp.concatenate([flat_b, jnp.array([N])])
    fs_pad = jnp.concatenate([flat_s, jnp.zeros((1,), flat_s.dtype)])
    out_dim = w_down.shape[1]
    y = jnp.zeros((N + 1, out_dim), xf.dtype)
    for i in range(nE):
        sel = jnp.nonzero(flat_e == i, size=C, fill_value=NK)[0]
        r = fb_pad[sel]
        xi = x_pad[r]
        up = xi @ w_up[i].T + b_up[i]
        down = jax.nn.silu(up) @ w_down[i].T + b_down[i]  # dropout is identity in eval
        y = y.at[r].add(down * fs_pad[sel][:, None])
    out = y[:N].reshape(orig_shape[:-1] + (out_dim,))
    return out, balance_loss

if __name__ == "__main__":
    import jax
    _d = setup_inputs()
    print(jax.jit(kernel)(*tuple(_d.values())))

</pallas_src>

<mosaic_0001>
#map = affine_map<(d0, d1) -> (0, 0)>
#map1 = affine_map<(d0, d1) -> (0)>
module attributes {stable_mosaic.version = 14 : i64} {
  func.func @_dispatch_body(%arg0: i32, %arg1: i32, %arg2: memref<4096x384xi32, #tpu.memory_space<hbm>>, %arg3: memref<4096xi32, #tpu.memory_space<hbm>>, %arg4: memref<4096xi32, #tpu.memory_space<hbm>>, %arg5: memref<24584x384xi32, #tpu.memory_space<hbm>>, %arg6: memref<128x384xi32, #tpu.memory_space<vmem>>, %arg7: memref<128xi32, #tpu.memory_space<vmem>>, %arg8: memref<128xi32, #tpu.memory_space<vmem>>, %arg9: memref<!tpu.dma_semaphore, #tpu.memory_space<semaphore_mem>>, %arg10: memref<!tpu.dma_semaphore, #tpu.memory_space<semaphore_mem>>) attributes {dimension_semantics = [#tpu.dimension_semantics<core_parallel>, #tpu.dimension_semantics<subcore_parallel>], iteration_bounds = array<i64: 2, 16>, scalar_prefetch = 0 : i64, scratch_operands = 5 : i64, tpu.core_type = #tpu.core_type<sc_vector_subcore>, window_params = [{transform_indices = #map}, {transform_indices = #map1}, {transform_indices = #map1}, {transform_indices = #map}]} {
    %mul3A = arith.constant 2 : i32
    %mul3A_0 = arith.muli %arg1, %mul3A : i32
    %add3A = arith.addi %mul3A_0, %arg0 : i32
    %mul3A_1 = arith.constant 128 : i32
    %mul3A_2 = arith.muli %add3A, %mul3A_1 : i32
    "tpu.region"() ({
      %run_scoped3A = tpu.sem_alloc : memref<!tpu.dma_semaphore, #tpu.memory_space<semaphore_mem>>
      %dma_start3A_13 = tpu.memref_slice %arg3[%mul3A_2] : memref<4096xi32, #tpu.memory_space<hbm>> -> memref<128xi32, #tpu.memory_space<hbm>>
      %dma_start3A_14 = tpu.memref_slice %arg3[%mul3A_2] : memref<4096xi32, #tpu.memory_space<hbm>> -> memref<128xi32, #tpu.memory_space<hbm>>
      tpu.enqueue_dma source(%dma_start3A_14 : memref<128xi32, #tpu.memory_space<hbm>>) target(%arg7 : memref<128xi32, #tpu.memory_space<vmem>>) target_semaphore(%run_scoped3A : memref<!tpu.dma_semaphore, #tpu.memory_space<semaphore_mem>>)
      %dma_wait3A_15 = tpu.memref_slice %arg3[%mul3A_2] : memref<4096xi32, #tpu.memory_space<hbm>> -> memref<128xi32, #tpu.memory_space<hbm>>
      %dma_wait3A_16 = tpu.memref_slice %arg3[%mul3A_2] : memref<4096xi32, #tpu.memory_space<hbm>> -> memref<128xi32, #tpu.memory_space<hbm>>
      tpu.wait_dma2 semaphore(%run_scoped3A : memref<!tpu.dma_semaphore, #tpu.memory_space<semaphore_mem>>) src(%dma_wait3A_16 : memref<128xi32, #tpu.memory_space<hbm>>) dst(%arg7 : memref<128xi32, #tpu.memory_space<vmem>>)
      tpu.yield
    }) : () -> ()
    "tpu.region"() ({
      %run_scoped3A = tpu.sem_alloc : memref<!tpu.dma_semaphore, #tpu.memory_space<semaphore_mem>>
      %dma_start3A_13 = tpu.memref_slice %arg4[%mul3A_2] : memref<4096xi32, #tpu.memory_space<hbm>> -> memref<128xi32, #tpu.memory_space<hbm>>
      %dma_start3A_14 = tpu.memref_slice %arg4[%mul3A_2] : memref<4096xi32, #tpu.memory_space<hbm>> -> memref<128xi32, #tpu.memory_space<hbm>>
      tpu.enqueue_dma source(%dma_start3A_14 : memref<128xi32, #tpu.memory_space<hbm>>) target(%arg8 : memref<128xi32, #tpu.memory_space<vmem>>) target_semaphore(%run_scoped3A : memref<!tpu.dma_semaphore, #tpu.memory_space<semaphore_mem>>)
      %dma_wait3A_15 = tpu.memref_slice %arg4[%mul3A_2] : memref<4096xi32, #tpu.memory_space<hbm>> -> memref<128xi32, #tpu.memory_space<hbm>>
      %dma_wait3A_16 = tpu.memref_slice %arg4[%mul3A_2] : memref<4096xi32, #tpu.memory_space<hbm>> -> memref<128xi32, #tpu.memory_space<hbm>>
      tpu.wait_dma2 semaphore(%run_scoped3A : memref<!tpu.dma_semaphore, #tpu.memory_space<semaphore_mem>>) src(%dma_wait3A_16 : memref<128xi32, #tpu.memory_space<hbm>>) dst(%arg8 : memref<128xi32, #tpu.memory_space<vmem>>)
      tpu.yield
    }) : () -> ()
    "tpu.region"() ({
      %run_scoped3A = tpu.sem_alloc : memref<!tpu.dma_semaphore, #tpu.memory_space<semaphore_mem>>
      %dma_start3A_13 = arith.constant 0 : i32
      %dma_start3A_14 = tpu.memref_slice %arg2[%mul3A_2, %dma_start3A_13] : memref<4096x384xi32, #tpu.memory_space<hbm>> -> memref<128x384xi32, #tpu.memory_space<hbm>>
      %dma_start3A_15 = arith.constant 0 : i32
      %dma_start3A_16 = tpu.memref_slice %arg2[%mul3A_2, %dma_start3A_15] : memref<4096x384xi32, #tpu.memory_space<hbm>> -> memref<128x384xi32, #tpu.memory_space<hbm>>
      tpu.enqueue_dma source(%dma_start3A_16 : memref<128x384xi32, #tpu.memory_space<hbm>>) target(%arg6 : memref<128x384xi32, #tpu.memory_space<vmem>>) target_semaphore(%run_scoped3A : memref<!tpu.dma_semaphore, #tpu.memory_space<semaphore_mem>>)
      %dma_wait3A_17 = arith.constant 0 : i32
      %dma_wait3A_18 = tpu.memref_slice %arg2[%mul3A_2, %dma_wait3A_17] : memref<4096x384xi32, #tpu.memory_space<hbm>> -> memref<128x384xi32, #tpu.memory_space<hbm>>
      %dma_wait3A_19 = arith.constant 0 : i32
      %dma_wait3A_20 = tpu.memref_slice %arg2[%mul3A_2, %dma_wait3A_19] : memref<4096x384xi32, #tpu.memory_space<hbm>> -> memref<128x384xi32, #tpu.memory_space<hbm>>
      tpu.wait_dma2 semaphore(%run_scoped3A : memref<!tpu.dma_semaphore, #tpu.memory_space<semaphore_mem>>) src(%dma_wait3A_20 : memref<128x384xi32, #tpu.memory_space<hbm>>) dst(%arg6 : memref<128x384xi32, #tpu.memory_space<vmem>>)
      tpu.yield
    }) : () -> ()
    %dma_start3A = arith.constant 0 : i32
    %dma_start3A_3 = arith.constant 0 : i32
    %dma_start3A_4 = tpu.memref_slice %arg5[%dma_start3A, %dma_start3A_3] : memref<24584x384xi32, #tpu.memory_space<hbm>> -> memref<24584x384xi32, #tpu.memory_space<hbm>>
    tpu.enqueue_indirect_dma source(%arg6 : memref<128x384xi32, #tpu.memory_space<vmem>>) target(%dma_start3A_4 : memref<24584x384xi32, #tpu.memory_space<hbm>>) offsets(%arg7 : memref<128xi32, #tpu.memory_space<vmem>>) semaphore(%arg9 : memref<!tpu.dma_semaphore, #tpu.memory_space<semaphore_mem>>)
    %dma_start3A_5 = arith.constant 0 : i32
    %dma_start3A_6 = arith.constant 0 : i32
    %dma_start3A_7 = tpu.memref_slice %arg5[%dma_start3A_5, %dma_start3A_6] : memref<24584x384xi32, #tpu.memory_space<hbm>> -> memref<24584x384xi32, #tpu.memory_space<hbm>>
    tpu.enqueue_indirect_dma source(%arg6 : memref<128x384xi32, #tpu.memory_space<vmem>>) target(%dma_start3A_7 : memref<24584x384xi32, #tpu.memory_space<hbm>>) offsets(%arg8 : memref<128xi32, #tpu.memory_space<vmem>>) semaphore(%arg10 : memref<!tpu.dma_semaphore, #tpu.memory_space<semaphore_mem>>)
    %dma_wait3A = arith.constant 0 : i32
    %dma_wait3A_8 = arith.constant 0 : i32
    %dma_wait3A_9 = tpu.memref_slice %arg5[%dma_wait3A, %dma_wait3A_8] : memref<24584x384xi32, #tpu.memory_space<hbm>> -> memref<24584x384xi32, #tpu.memory_space<hbm>>
    tpu.wait_indirect_dma semaphore(%arg9 : memref<!tpu.dma_semaphore, #tpu.memory_space<semaphore_mem>>) src(%arg6 : memref<128x384xi32, #tpu.memory_space<vmem>>) dst(%dma_wait3A_9 : memref<24584x384xi32, #tpu.memory_space<hbm>>)
    %dma_wait3A_10 = arith.constant 0 : i32
    %dma_wait3A_11 = arith.constant 0 : i32
    %dma_wait3A_12 = tpu.memref_slice %arg5[%dma_wait3A_10, %dma_wait3A_11] : memref<24584x384xi32, #tpu.memory_space<hbm>> -> memref<24584x384xi32, #tpu.memory_space<hbm>>
    tpu.wait_indirect_dma semaphore(%arg10 : memref<!tpu.dma_semaphore, #tpu.memory_space<semaphore_mem>>) src(%arg6 : memref<128x384xi32, #tpu.memory_space<vmem>>) dst(%dma_wait3A_12 : memref<24584x384xi32, #tpu.memory_space<hbm>>)
    return
  }
}

#map = affine_map<(d0, d1) -> (0, 0)>
#map1 = affine_map<(d0, d1) -> (0)>
module attributes {stable_mosaic.version = 14 : i64} {
  func.func @_combine_body(%arg0: i32, %arg1: i32, %arg2: memref<24576x384xi32, #tpu.memory_space<hbm>>, %arg3: memref<4096xi32, #tpu.memory_space<hbm>>, %arg4: memref<4096xi32, #tpu.memory_space<hbm>>, %arg5: memref<4096x384xi32, #tpu.memory_space<hbm>>, %arg6: memref<4096x384xi32, #tpu.memory_space<hbm>>, %arg7: memref<64x384xi32, #tpu.memory_space<vmem>>, %arg8: memref<64x384xi32, #tpu.memory_space<vmem>>, %arg9: memref<64xi32, #tpu.memory_space<vmem>>, %arg10: memref<64xi32, #tpu.memory_space<vmem>>, %arg11: memref<!tpu.dma_semaphore, #tpu.memory_space<semaphore_mem>>, %arg12: memref<!tpu.dma_semaphore, #tpu.memory_space<semaphore_mem>>) attributes {dimension_semantics = [#tpu.dimension_semantics<core_parallel>, #tpu.dimension_semantics<subcore_parallel>], iteration_bounds = array<i64: 2, 16>, scalar_prefetch = 0 : i64, scratch_operands = 6 : i64, tpu.core_type = #tpu.core_type<sc_vector_subcore>, window_params = [{transform_indices = #map}, {transform_indices = #map1}, {transform_indices = #map1}, {transform_indices = #map}, {transform_indices = #map}]} {
    %mul3A = arith.constant 2 : i32
    %mul3A_0 = arith.muli %arg1, %mul3A : i32
    %add3A = arith.addi %mul3A_0, %arg0 : i32
    %mul3A_1 = arith.constant 128 : i32
    %mul3A_2 = arith.muli %add3A, %mul3A_1 : i32
    %add3A_3 = arith.constant 0 : i32
    %add3A_4 = arith.addi %mul3A_2, %add3A_3 : i32
    "tpu.region"() ({
      %run_scoped3A = tpu.sem_alloc : memref<!tpu.dma_semaphore, #tpu.memory_space<semaphore_mem>>
      %dma_start3A_29 = tpu.memref_slice %arg3[%add3A_4] : memref<4096xi32, #tpu.memory_space<hbm>> -> memref<64xi32, #tpu.memory_space<hbm>>
      %dma_start3A_30 = tpu.memref_slice %arg3[%add3A_4] : memref<4096xi32, #tpu.memory_space<hbm>> -> memref<64xi32, #tpu.memory_space<hbm>>
      tpu.enqueue_dma source(%dma_start3A_30 : memref<64xi32, #tpu.memory_space<hbm>>) target(%arg9 : memref<64xi32, #tpu.memory_space<vmem>>) target_semaphore(%run_scoped3A : memref<!tpu.dma_semaphore, #tpu.memory_space<semaphore_mem>>)
      %dma_wait3A_31 = tpu.memref_slice %arg3[%add3A_4] : memref<4096xi32, #tpu.memory_space<hbm>> -> memref<64xi32, #tpu.memory_space<hbm>>
      %dma_wait3A_32 = tpu.memref_slice %arg3[%add3A_4] : memref<4096xi32, #tpu.memory_space<hbm>> -> memref<64xi32, #tpu.memory_space<hbm>>
      tpu.wait_dma2 semaphore(%run_scoped3A : memref<!tpu.dma_semaphore, #tpu.memory_space<semaphore_mem>>) src(%dma_wait3A_32 : memref<64xi32, #tpu.memory_space<hbm>>) dst(%arg9 : memref<64xi32, #tpu.memory_space<vmem>>)
      tpu.yield
    }) : () -> ()
    "tpu.region"() ({
      %run_scoped3A = tpu.sem_alloc : memref<!tpu.dma_semaphore, #tpu.memory_space<semaphore_mem>>
      %dma_start3A_29 = tpu.memref_slice %arg4[%add3A_4] : memref<4096xi32, #tpu.memory_space<hbm>> -> memref<64xi32, #tpu.memory_space<hbm>>
      %dma_start3A_30 = tpu.memref_slice %arg4[%add3A_4] : memref<4096xi32, #tpu.memory_space<hbm>> -> memref<64xi32, #tpu.memory_space<hbm>>
      tpu.enqueue_dma source(%dma_start3A_30 : memref<64xi32, #tpu.memory_space<hbm>>) target(%arg10 : memref<64xi32, #tpu.memory_space<vmem>>) target_semaphore(%run_scoped3A : memref<!tpu.dma_semaphore, #tpu.memory_space<semaphore_mem>>)
      %dma_wait3A_31 = tpu.memref_slice %arg4[%add3A_4] : memref<4096xi32, #tpu.memory_space<hbm>> -> memref<64xi32, #tpu.memory_space<hbm>>
      %dma_wait3A_32 = tpu.memref_slice %arg4[%add3A_4] : memref<4096xi32, #tpu.memory_space<hbm>> -> memref<64xi32, #tpu.memory_space<hbm>>
      tpu.wait_dma2 semaphore(%run_scoped3A : memref<!tpu.dma_semaphore, #tpu.memory_space<semaphore_mem>>) src(%dma_wait3A_32 : memref<64xi32, #tpu.memory_space<hbm>>) dst(%arg10 : memref<64xi32, #tpu.memory_space<vmem>>)
      tpu.yield
    }) : () -> ()
    %dma_start3A = arith.constant 0 : i32
    %dma_start3A_5 = arith.constant 0 : i32
    %dma_start3A_6 = tpu.memref_slice %arg2[%dma_start3A, %dma_start3A_5] : memref<24576x384xi32, #tpu.memory_space<hbm>> -> memref<24576x384xi32, #tpu.memory_space<hbm>>
    tpu.enqueue_indirect_dma source(%dma_start3A_6 : memref<24576x384xi32, #tpu.memory_space<hbm>>) target(%arg7 : memref<64x384xi32, #tpu.memory_space<vmem>>) offsets(%arg9 : memref<64xi32, #tpu.memory_space<vmem>>) semaphore(%arg11 : memref<!tpu.dma_semaphore, #tpu.memory_space<semaphore_mem>>)
    %dma_start3A_7 = arith.constant 0 : i32
    %dma_start3A_8 = arith.constant 0 : i32
    %dma_start3A_9 = tpu.memref_slice %arg2[%dma_start3A_7, %dma_start3A_8] : memref<24576x384xi32, #tpu.memory_space<hbm>> -> memref<24576x384xi32, #tpu.memory_space<hbm>>
    tpu.enqueue_indirect_dma source(%dma_start3A_9 : memref<24576x384xi32, #tpu.memory_space<hbm>>) target(%arg8 : memref<64x384xi32, #tpu.memory_space<vmem>>) offsets(%arg10 : memref<64xi32, #tpu.memory_space<vmem>>) semaphore(%arg12 : memref<!tpu.dma_semaphore, #tpu.memory_space<semaphore_mem>>)
    %dma_wait3A = arith.constant 0 : i32
    %dma_wait3A_10 = arith.constant 0 : i32
    %dma_wait3A_11 = tpu.memref_slice %arg2[%dma_wait3A, %dma_wait3A_10] : memref<24576x384xi32, #tpu.memory_space<hbm>> -> memref<24576x384xi32, #tpu.memory_space<hbm>>
    tpu.wait_indirect_dma semaphore(%arg11 : memref<!tpu.dma_semaphore, #tpu.memory_space<semaphore_mem>>) src(%dma_wait3A_11 : memref<24576x384xi32, #tpu.memory_space<hbm>>) dst(%arg7 : memref<64x384xi32, #tpu.memory_space<vmem>>)
    %dma_wait3A_12 = arith.constant 0 : i32
    %dma_wait3A_13 = arith.constant 0 : i32
    %dma_wait3A_14 = tpu.memref_slice %arg2[%dma_wait3A_12, %dma_wait3A_13] : memref<24576x384xi32, #tpu.memory_space<hbm>> -> memref<24576x384xi32, #tpu.memory_space<hbm>>
    tpu.wait_indirect_dma semaphore(%arg12 : memref<!tpu.dma_semaphore, #tpu.memory_space<semaphore_mem>>) src(%dma_wait3A_14 : memref<24576x384xi32, #tpu.memory_space<hbm>>) dst(%arg8 : memref<64x384xi32, #tpu.memory_space<vmem>>)
    "tpu.region"() ({
      %run_scoped3A = tpu.sem_alloc : memref<!tpu.dma_semaphore, #tpu.memory_space<semaphore_mem>>
      %dma_start3A_29 = arith.constant 0 : i32
      %dma_start3A_30 = tpu.memref_slice %arg5[%add3A_4, %dma_start3A_29] : memref<4096x384xi32, #tpu.memory_space<hbm>> -> memref<64x384xi32, #tpu.memory_space<hbm>>
      %dma_start3A_31 = arith.constant 0 : i32
      %dma_start3A_32 = tpu.memref_slice %arg5[%add3A_4, %dma_start3A_31] : memref<4096x384xi32, #tpu.memory_space<hbm>> -> memref<64x384xi32, #tpu.memory_space<hbm>>
      tpu.enqueue_dma source(%arg7 : memref<64x384xi32, #tpu.memory_space<vmem>>) target(%dma_start3A_32 : memref<64x384xi32, #tpu.memory_space<hbm>>) target_semaphore(%run_scoped3A : memref<!tpu.dma_semaphore, #tpu.memory_space<semaphore_mem>>)
      %dma_wait3A_33 = arith.constant 0 : i32
      %dma_wait3A_34 = tpu.memref_slice %arg5[%add3A_4, %dma_wait3A_33] : memref<4096x384xi32, #tpu.memory_space<hbm>> -> memref<64x384xi32, #tpu.memory_space<hbm>>
      %dma_wait3A_35 = arith.constant 0 : i32
      %dma_wait3A_36 = tpu.memref_slice %arg5[%add3A_4, %dma_wait3A_35] : memref<4096x384xi32, #tpu.memory_space<hbm>> -> memref<64x384xi32, #tpu.memory_space<hbm>>
      tpu.wait_dma2 semaphore(%run_scoped3A : memref<!tpu.dma_semaphore, #tpu.memory_space<semaphore_mem>>) src(%arg7 : memref<64x384xi32, #tpu.memory_space<vmem>>) dst(%dma_wait3A_36 : memref<64x384xi32, #tpu.memory_space<hbm>>)
      tpu.yield
    }) : () -> ()
    "tpu.region"() ({
      %run_scoped3A = tpu.sem_alloc : memref<!tpu.dma_semaphore, #tpu.memory_space<semaphore_mem>>
      %dma_start3A_29 = arith.constant 0 : i32
      %dma_start3A_30 = tpu.memref_slice %arg6[%add3A_4, %dma_start3A_29] : memref<4096x384xi32, #tpu.memory_space<hbm>> -> memref<64x384xi32, #tpu.memory_space<hbm>>
      %dma_start3A_31 = arith.constant 0 : i32
      %dma_start3A_32 = tpu.memref_slice %arg6[%add3A_4, %dma_start3A_31] : memref<4096x384xi32, #tpu.memory_space<hbm>> -> memref<64x384xi32, #tpu.memory_space<hbm>>
      tpu.enqueue_dma source(%arg8 : memref<64x384xi32, #tpu.memory_space<vmem>>) target(%dma_start3A_32 : memref<64x384xi32, #tpu.memory_space<hbm>>) target_semaphore(%run_scoped3A : memref<!tpu.dma_semaphore, #tpu.memory_space<semaphore_mem>>)
      %dma_wait3A_33 = arith.constant 0 : i32
      %dma_wait3A_34 = tpu.memref_slice %arg6[%add3A_4, %dma_wait3A_33] : memref<4096x384xi32, #tpu.memory_space<hbm>> -> memref<64x384xi32, #tpu.memory_space<hbm>>
      %dma_wait3A_35 = arith.constant 0 : i32
      %dma_wait3A_36 = tpu.memref_slice %arg6[%add3A_4, %dma_wait3A_35] : memref<4096x384xi32, #tpu.memory_space<hbm>> -> memref<64x384xi32, #tpu.memory_space<hbm>>
      tpu.wait_dma2 semaphore(%run_scoped3A : memref<!tpu.dma_semaphore, #tpu.memory_space<semaphore_mem>>) src(%arg8 : memref<64x384xi32, #tpu.memory_space<vmem>>) dst(%dma_wait3A_36 : memref<64x384xi32, #tpu.memory_space<hbm>>)
      tpu.yield
    }) : () -> ()
    %add3A_15 = arith.constant 64 : i32
    %add3A_16 = arith.addi %mul3A_2, %add3A_15 : i32
    "tpu.region"() ({
      %run_scoped3A = tpu.sem_alloc : memref<!tpu.dma_semaphore, #tpu.memory_space<semaphore_mem>>
      %dma_start3A_29 = tpu.memref_slice %arg3[%add3A_16] : memref<4096xi32, #tpu.memory_space<hbm>> -> memref<64xi32, #tpu.memory_space<hbm>>
      %dma_start3A_30 = tpu.memref_slice %arg3[%add3A_16] : memref<4096xi32, #tpu.memory_space<hbm>> -> memref<64xi32, #tpu.memory_space<hbm>>
      tpu.enqueue_dma source(%dma_start3A_30 : memref<64xi32, #tpu.memory_space<hbm>>) target(%arg9 : memref<64xi32, #tpu.memory_space<vmem>>) target_semaphore(%run_scoped3A : memref<!tpu.dma_semaphore, #tpu.memory_space<semaphore_mem>>)
      %dma_wait3A_31 = tpu.memref_slice %arg3[%add3A_16] : memref<4096xi32, #tpu.memory_space<hbm>> -> memref<64xi32, #tpu.memory_space<hbm>>
      %dma_wait3A_32 = tpu.memref_slice %arg3[%add3A_16] : memref<4096xi32, #tpu.memory_space<hbm>> -> memref<64xi32, #tpu.memory_space<hbm>>
      tpu.wait_dma2 semaphore(%run_scoped3A : memref<!tpu.dma_semaphore, #tpu.memory_space<semaphore_mem>>) src(%dma_wait3A_32 : memref<64xi32, #tpu.memory_space<hbm>>) dst(%arg9 : memref<64xi32, #tpu.memory_space<vmem>>)
      tpu.yield
    }) : () -> ()
    "tpu.region"() ({
      %run_scoped3A = tpu.sem_alloc : memref<!tpu.dma_semaphore, #tpu.memory_space<semaphore_mem>>
      %dma_start3A_29 = tpu.memref_slice %arg4[%add3A_16] : memref<4096xi32, #tpu.memory_space<hbm>> -> memref<64xi32, #tpu.memory_space<hbm>>
      %dma_start3A_30 = tpu.memref_slice %arg4[%add3A_16] : memref<4096xi32, #tpu.memory_space<hbm>> -> memref<64xi32, #tpu.memory_space<hbm>>
      tpu.enqueue_dma source(%dma_start3A_30 : memref<64xi32, #tpu.memory_space<hbm>>) target(%arg10 : memref<64xi32, #tpu.memory_space<vmem>>) target_semaphore(%run_scoped3A : memref<!tpu.dma_semaphore, #tpu.memory_space<semaphore_mem>>)
      %dma_wait3A_31 = tpu.memref_slice %arg4[%add3A_16] : memref<4096xi32, #tpu.memory_space<hbm>> -> memref<64xi32, #tpu.memory_space<hbm>>
      %dma_wait3A_32 = tpu.memref_slice %arg4[%add3A_16] : memref<4096xi32, #tpu.memory_space<hbm>> -> memref<64xi32, #tpu.memory_space<hbm>>
      tpu.wait_dma2 semaphore(%run_scoped3A : memref<!tpu.dma_semaphore, #tpu.memory_space<semaphore_mem>>) src(%dma_wait3A_32 : memref<64xi32, #tpu.memory_space<hbm>>) dst(%arg10 : memref<64xi32, #tpu.memory_space<vmem>>)
      tpu.yield
    }) : () -> ()
    %dma_start3A_17 = arith.constant 0 : i32
    %dma_start3A_18 = arith.constant 0 : i32
    %dma_start3A_19 = tpu.memref_slice %arg2[%dma_start3A_17, %dma_start3A_18] : memref<24576x384xi32, #tpu.memory_space<hbm>> -> memref<24576x384xi32, #tpu.memory_space<hbm>>
    tpu.enqueue_indirect_dma source(%dma_start3A_19 : memref<24576x384xi32, #tpu.memory_space<hbm>>) target(%arg7 : memref<64x384xi32, #tpu.memory_space<vmem>>) offsets(%arg9 : memref<64xi32, #tpu.memory_space<vmem>>) semaphore(%arg11 : memref<!tpu.dma_semaphore, #tpu.memory_space<semaphore_mem>>)
    %dma_start3A_20 = arith.constant 0 : i32
    %dma_start3A_21 = arith.constant 0 : i32
    %dma_start3A_22 = tpu.memref_slice %arg2[%dma_start3A_20, %dma_start3A_21] : memref<24576x384xi32, #tpu.memory_space<hbm>> -> memref<24576x384xi32, #tpu.memory_space<hbm>>
    tpu.enqueue_indirect_dma source(%dma_start3A_22 : memref<24576x384xi32, #tpu.memory_space<hbm>>) target(%arg8 : memref<64x384xi32, #tpu.memory_space<vmem>>) offsets(%arg10 : memref<64xi32, #tpu.memory_space<vmem>>) semaphore(%arg12 : memref<!tpu.dma_semaphore, #tpu.memory_space<semaphore_mem>>)
    %dma_wait3A_23 = arith.constant 0 : i32
    %dma_wait3A_24 = arith.constant 0 : i32
    %dma_wait3A_25 = tpu.memref_slice %arg2[%dma_wait3A_23, %dma_wait3A_24] : memref<24576x384xi32, #tpu.memory_space<hbm>> -> memref<24576x384xi32, #tpu.memory_space<hbm>>
    tpu.wait_indirect_dma semaphore(%arg11 : memref<!tpu.dma_semaphore, #tpu.memory_space<semaphore_mem>>) src(%dma_wait3A_25 : memref<24576x384xi32, #tpu.memory_space<hbm>>) dst(%arg7 : memref<64x384xi32, #tpu.memory_space<vmem>>)
    %dma_wait3A_26 = arith.constant 0 : i32
    %dma_wait3A_27 = arith.constant 0 : i32
    %dma_wait3A_28 = tpu.memref_slice %arg2[%dma_wait3A_26, %dma_wait3A_27] : memref<24576x384xi32, #tpu.memory_space<hbm>> -> memref<24576x384xi32, #tpu.memory_space<hbm>>
    tpu.wait_indirect_dma semaphore(%arg12 : memref<!tpu.dma_semaphore, #tpu.memory_space<semaphore_mem>>) src(%dma_wait3A_28 : memref<24576x384xi32, #tpu.memory_space<hbm>>) dst(%arg8 : memref<64x384xi32, #tpu.memory_space<vmem>>)
    "tpu.region"() ({
      %run_scoped3A = tpu.sem_alloc : memref<!tpu.dma_semaphore, #tpu.memory_space<semaphore_mem>>
      %dma_start3A_29 = arith.constant 0 : i32
      %dma_start3A_30 = tpu.memref_slice %arg5[%add3A_16, %dma_start3A_29] : memref<4096x384xi32, #tpu.memory_space<hbm>> -> memref<64x384xi32, #tpu.memory_space<hbm>>
      %dma_start3A_31 = arith.constant 0 : i32
      %dma_start3A_32 = tpu.memref_slice %arg5[%add3A_16, %dma_start3A_31] : memref<4096x384xi32, #tpu.memory_space<hbm>> -> memref<64x384xi32, #tpu.memory_space<hbm>>
      tpu.enqueue_dma source(%arg7 : memref<64x384xi32, #tpu.memory_space<vmem>>) target(%dma_start3A_32 : memref<64x384xi32, #tpu.memory_space<hbm>>) target_semaphore(%run_scoped3A : memref<!tpu.dma_semaphore, #tpu.memory_space<semaphore_mem>>)
      %dma_wait3A_33 = arith.constant 0 : i32
      %dma_wait3A_34 = tpu.memref_slice %arg5[%add3A_16, %dma_wait3A_33] : memref<4096x384xi32, #tpu.memory_space<hbm>> -> memref<64x384xi32, #tpu.memory_space<hbm>>
      %dma_wait3A_35 = arith.constant 0 : i32
      %dma_wait3A_36 = tpu.memref_slice %arg5[%add3A_16, %dma_wait3A_35] : memref<4096x384xi32, #tpu.memory_space<hbm>> -> memref<64x384xi32, #tpu.memory_space<hbm>>
      tpu.wait_dma2 semaphore(%run_scoped3A : memref<!tpu.dma_semaphore, #tpu.memory_space<semaphore_mem>>) src(%arg7 : memref<64x384xi32, #tpu.memory_space<vmem>>) dst(%dma_wait3A_36 : memref<64x384xi32, #tpu.memory_space<hbm>>)
      tpu.yield
    }) : () -> ()
    "tpu.region"() ({
      %run_scoped3A = tpu.sem_alloc : memref<!tpu.dma_semaphore, #tpu.memory_space<semaphore_mem>>
      %dma_start3A_29 = arith.constant 0 : i32
      %dma_start3A_30 = tpu.memref_slice %arg6[%add3A_16, %dma_start3A_29] : memref<4096x384xi32, #tpu.memory_space<hbm>> -> memref<64x384xi32, #tpu.memory_space<hbm>>
      %dma_start3A_31 = arith.constant 0 : i32
      %dma_start3A_32 = tpu.memref_slice %arg6[%add3A_16, %dma_start3A_31] : memref<4096x384xi32, #tpu.memory_space<hbm>> -> memref<64x384xi32, #tpu.memory_space<hbm>>
      tpu.enqueue_dma source(%arg8 : memref<64x384xi32, #tpu.memory_space<vmem>>) target(%dma_start3A_32 : memref<64x384xi32, #tpu.memory_space<hbm>>) target_semaphore(%run_scoped3A : memref<!tpu.dma_semaphore, #tpu.memory_space<semaphore_mem>>)
      %dma_wait3A_33 = arith.constant 0 : i32
      %dma_wait3A_34 = tpu.memref_slice %arg6[%add3A_16, %dma_wait3A_33] : memref<4096x384xi32, #tpu.memory_space<hbm>> -> memref<64x384xi32, #tpu.memory_space<hbm>>
      %dma_wait3A_35 = arith.constant 0 : i32
      %dma_wait3A_36 = tpu.memref_slice %arg6[%add3A_16, %dma_wait3A_35] : memref<4096x384xi32, #tpu.memory_space<hbm>> -> memref<64x384xi32, #tpu.memory_space<hbm>>
      tpu.wait_dma2 semaphore(%run_scoped3A : memref<!tpu.dma_semaphore, #tpu.memory_space<semaphore_mem>>) src(%arg8 : memref<64x384xi32, #tpu.memory_space<vmem>>) dst(%dma_wait3A_36 : memref<64x384xi32, #tpu.memory_space<hbm>>)
      tpu.yield
    }) : () -> ()
    return
  }
}

module attributes {stable_mosaic.version = 14 : i64} {
  func.func @_ffn_body(%arg0: i32, %arg1: memref<384x384xi32, #tpu.memory_space<vmem>>, %arg2: memref<1x64x768xf32, #tpu.memory_space<vmem>>, %arg3: memref<1x1x64xf32, #tpu.memory_space<vmem>>, %arg4: memref<1x64x768xf32, #tpu.memory_space<vmem>>, %arg5: memref<1x1x768xf32, #tpu.memory_space<vmem>>, %arg6: memref<384x384xi32, #tpu.memory_space<vmem>>) attributes {dimension_semantics = [#tpu.dimension_semantics<arbitrary>], iteration_bounds = array<i64: 64>, scalar_prefetch = 0 : i64, scratch_operands = 0 : i64, tpu.core_type = #tpu.core_type<tc>, window_params = [{transform_indices = @transform_0, window_bounds = array<i64: 384, 384>}, {transform_indices = @transform_1, window_bounds = array<i64: 1, 64, 768>}, {transform_indices = @transform_2, window_bounds = array<i64: 1, 1, 64>}, {transform_indices = @transform_3, window_bounds = array<i64: 1, 64, 768>}, {transform_indices = @transform_4, window_bounds = array<i64: 1, 1, 768>}, {transform_indices = @transform_5, window_bounds = array<i64: 384, 384>}]} {
    %get3A = arith.constant 0 : index
    %get3A_0 = arith.constant 0 : index
    %get3A_1 = vector.load %arg1[%get3A, %get3A_0] : memref<384x384xi32, #tpu.memory_space<vmem>>, vector<384x384xi32>
    %bitcast_convert_type3A = tpu.bitcast %get3A_1 : vector<384x384xi32> -> vector<384x384xi32>
    %and3A = arith.constant 65535 : i32
    %and3A_2 = vector.broadcast %and3A : i32 to vector<384x384xi32>
    %and3A_3 = arith.andi %bitcast_convert_type3A, %and3A_2 : vector<384x384xi32>
    %convert_element_type3A = arith.trunci %and3A_3 : vector<384x384xi32> to vector<384x384xi16>
    %bitcast_convert_type3A_4 = tpu.bitcast %convert_element_type3A : vector<384x384xi16> -> vector<384x384xbf16>
    %shift_right_logical3A = arith.constant 16 : i32
    %shift_right_logical3A_5 = vector.broadcast %shift_right_logical3A : i32 to vector<384x384xi32>
    %shift_right_logical3A_6 = arith.shrui %bitcast_convert_type3A, %shift_right_logical3A_5 : vector<384x384xi32>
    %convert_element_type3A_7 = arith.trunci %shift_right_logical3A_6 : vector<384x384xi32> to vector<384x384xi16>
    %bitcast_convert_type3A_8 = tpu.bitcast %convert_element_type3A_7 : vector<384x384xi16> -> vector<384x384xbf16>
    %get3A_9 = arith.constant 0 : index
    %get3A_10 = arith.constant 0 : index
    %get3A_11 = arith.constant 0 : index
    %get3A_12 = vector.load %arg2[%get3A_9, %get3A_10, %get3A_11] : memref<1x64x768xf32, #tpu.memory_space<vmem>>, vector<1x64x768xf32>
    %get3A_13 = vector.shape_cast %get3A_12 : vector<1x64x768xf32> to vector<64x768xf32>
    %convert_element_type3A_14 = arith.truncf %get3A_13 : vector<64x768xf32> to vector<64x768xbf16>
    %slice3A = vector.extract_strided_slice %convert_element_type3A_14 {offsets = [0, 0], sizes = [64, 384], strides = [1, 1]} : vector<64x768xbf16> to vector<64x384xbf16>
    %dot_general3A = arith.constant dense<0.000000e+00> : vector<384x64xf32>
    %dot_general3A_15 = tpu.matmul %bitcast_convert_type3A_4, %slice3A, %dot_general3A {dimension_numbers = #tpu.dot_dimension_numbers<[1], [1], [0], [0], [0, 0, 1, 0], [], []>, transpose_lhs_hint = false} : vector<384x384xbf16>, vector<64x384xbf16>, vector<384x64xf32> -> vector<384x64xf32>
    %slice3A_16 = vector.extract_strided_slice %convert_element_type3A_14 {offsets = [0, 384], sizes = [64, 384], strides = [1, 1]} : vector<64x768xbf16> to vector<64x384xbf16>
    %dot_general3A_17 = arith.constant dense<0.000000e+00> : vector<384x64xf32>
    %dot_general3A_18 = tpu.matmul %bitcast_convert_type3A_8, %slice3A_16, %dot_general3A_17 {dimension_numbers = #tpu.dot_dimension_numbers<[1], [1], [0], [0], [0, 0, 1, 0], [], []>, transpose_lhs_hint = false} : vector<384x384xbf16>, vector<64x384xbf16>, vector<384x64xf32> -> vector<384x64xf32>
    %add3A = arith.addf %dot_general3A_15, %dot_general3A_18 : vector<384x64xf32>
    %get3A_19 = arith.constant 0 : index
    %get3A_20 = arith.constant 0 : index
    %get3A_21 = arith.constant 0 : index
    %get3A_22 = vector.load %arg3[%get3A_19, %get3A_20, %get3A_21] : memref<1x1x64xf32, #tpu.memory_space<vmem>>, vector<1x1x64xf32>
    %get3A_23 = vector.shape_cast %get3A_22 : vector<1x1x64xf32> to vector<1x64xf32>
    %add3A_24 = vector.broadcast %get3A_23 : vector<1x64xf32> to vector<384x64xf32>
    %add3A_25 = arith.addf %add3A, %add3A_24 : vector<384x64xf32>
    %neg3A = arith.constant 0.000000e+00 : f32
    %neg3A_26 = vector.broadcast %neg3A : f32 to vector<384x64xf32>
    %neg3A_27 = arith.subf %neg3A_26, %add3A_25 : vector<384x64xf32>
    %exp3A = math.exp %neg3A_27 : vector<384x64xf32>
    %add3A_28 = arith.constant 1.000000e+00 : f32
    %add3A_29 = vector.broadcast %add3A_28 : f32 to vector<384x64xf32>
    %add3A_30 = arith.addf %add3A_29, %exp3A : vector<384x64xf32>
    %div3A = arith.constant 1.000000e+00 : f32
    %div3A_31 = vector.broadcast %div3A : f32 to vector<384x64xf32>
    %div3A_32 = arith.divf %div3A_31, %add3A_30 : vector<384x64xf32>
    %mul3A = arith.mulf %add3A_25, %div3A_32 : vector<384x64xf32>
    %convert_element_type3A_33 = arith.truncf %mul3A : vector<384x64xf32> to vector<384x64xbf16>
    %get3A_34 = arith.constant 0 : index
    %get3A_35 = arith.constant 0 : index
    %get3A_36 = arith.constant 0 : index
    %get3A_37 = vector.load %arg4[%get3A_34, %get3A_35, %get3A_36] : memref<1x64x768xf32, #tpu.memory_space<vmem>>, vector<1x64x768xf32>
    %get3A_38 = vector.shape_cast %get3A_37 : vector<1x64x768xf32> to vector<64x768xf32>
    %convert_element_type3A_39 = arith.truncf %get3A_38 : vector<64x768xf32> to vector<64x768xbf16>
    %dot_general3A_40 = arith.constant dense<0.000000e+00> : vector<384x768xf32>
    %dot_general3A_41 = tpu.matmul %convert_element_type3A_33, %convert_element_type3A_39, %dot_general3A_40 {dimension_numbers = #tpu.dot_dimension_numbers<[1], [0], [0], [1], [0, 0, 1, 1], [], []>, transpose_lhs_hint = false} : vector<384x64xbf16>, vector<64x768xbf16>, vector<384x768xf32> -> vector<384x768xf32>
    %get3A_42 = arith.constant 0 : index
    %get3A_43 = arith.constant 0 : index
    %get3A_44 = arith.constant 0 : index
    %get3A_45 = vector.load %arg5[%get3A_42, %get3A_43, %get3A_44] : memref<1x1x768xf32, #tpu.memory_space<vmem>>, vector<1x1x768xf32>
    %get3A_46 = vector.shape_cast %get3A_45 : vector<1x1x768xf32> to vector<1x768xf32>
    %add3A_47 = vector.broadcast %get3A_46 : vector<1x768xf32> to vector<384x768xf32>
    %add3A_48 = arith.addf %dot_general3A_41, %add3A_47 : vector<384x768xf32>
    %convert_element_type3A_49 = arith.truncf %add3A_48 : vector<384x768xf32> to vector<384x768xbf16>
    %bitcast_convert_type3A_50 = tpu.bitcast %convert_element_type3A_49 : vector<384x768xbf16> -> vector<384x768xi16>
    %slice3A_51 = vector.extract_strided_slice %bitcast_convert_type3A_50 {offsets = [0, 0], sizes = [384, 384], strides = [1, 1]} : vector<384x768xi16> to vector<384x384xi16>
    %convert_element_type3A_52 = arith.extui %slice3A_51 : vector<384x384xi16> to vector<384x384xi32>
    %slice3A_53 = vector.extract_strided_slice %bitcast_convert_type3A_50 {offsets = [0, 384], sizes = [384, 384], strides = [1, 1]} : vector<384x768xi16> to vector<384x384xi16>
    %convert_element_type3A_54 = arith.extui %slice3A_53 : vector<384x384xi16> to vector<384x384xi32>
    %shift_left3A = arith.constant 16 : i32
    %shift_left3A_55 = vector.broadcast %shift_left3A : i32 to vector<384x384xi32>
    %shift_left3A_56 = arith.shli %convert_element_type3A_54, %shift_left3A_55 : vector<384x384xi32>
    %or3A = arith.ori %shift_left3A_56, %convert_element_type3A_52 : vector<384x384xi32>
    %bitcast_convert_type3A_57 = tpu.bitcast %or3A : vector<384x384xi32> -> vector<384x384xi32>
    %swap3A = arith.constant 0 : index
    %swap3A_58 = arith.constant 0 : index
    %swap3A_59 = vector.load %arg6[%swap3A, %swap3A_58] : memref<384x384xi32, #tpu.memory_space<vmem>>, vector<384x384xi32>
    tpu.vector_store %arg6[%swap3A, %swap3A_58], %bitcast_convert_type3A_57 {strides = array<i32>} : memref<384x384xi32, #tpu.memory_space<vmem>>, vector<384x384xi32>,
    return
  }
  func.func @transform_0(%arg0: i32) -> (i32, i32) {
    %c0_i32 = arith.constant 0 : i32
    %c0_i32_0 = arith.constant 0 : i32
    return %arg0, %c0_i32 : i32, i32
  }
  func.func @transform_1(%arg0: i32) -> (i32, i32, i32) {
    %c0_i32 = arith.constant 0 : i32
    %c0_i32_0 = arith.constant 0 : i32
    %c0_i32_1 = arith.constant 0 : i32
    return %arg0, %c0_i32, %c0_i32_0 : i32, i32, i32
  }
  func.func @transform_2(%arg0: i32) -> (i32, i32, i32) {
    %c0_i32 = arith.constant 0 : i32
    %c0_i32_0 = arith.constant 0 : i32
    %c0_i32_1 = arith.constant 0 : i32
    return %arg0, %c0_i32, %c0_i32_0 : i32, i32, i32
  }
  func.func @transform_3(%arg0: i32) -> (i32, i32, i32) {
    %c0_i32 = arith.constant 0 : i32
    %c0_i32_0 = arith.constant 0 : i32
    %c0_i32_1 = arith.constant 0 : i32
    return %arg0, %c0_i32, %c0_i32_0 : i32, i32, i32
  }
  func.func @transform_4(%arg0: i32) -> (i32, i32, i32) {
    %c0_i32 = arith.constant 0 : i32
    %c0_i32_0 = arith.constant 0 : i32
    %c0_i32_1 = arith.constant 0 : i32
    return %arg0, %c0_i32, %c0_i32_0 : i32, i32, i32
  }
  func.func @transform_5(%arg0: i32) -> (i32, i32) {
    %c0_i32 = arith.constant 0 : i32
    %c0_i32_0 = arith.constant 0 : i32
    return %arg0, %c0_i32 : i32, i32
  }
}

module attributes {stable_mosaic.version = 14 : i64} {
  func.func @_gate_body(%arg0: i32, %arg1: memref<512x768xf32, #tpu.memory_space<vmem>>, %arg2: memref<64x768xf32, #tpu.memory_space<vmem>>, %arg3: memref<64x64xf32, #tpu.memory_space<vmem>>, %arg4: memref<512xi32, #tpu.memory_space<vmem>>, %arg5: memref<512xi32, #tpu.memory_space<vmem>>, %arg6: memref<512xi32, #tpu.memory_space<vmem>>, %arg7: memref<512xi32, #tpu.memory_space<vmem>>, %arg8: memref<512x16xf32, #tpu.memory_space<vmem>>, %arg9: memref<512x16xf32, #tpu.memory_space<vmem>>, %arg10: memref<8x128xf32, #tpu.memory_space<vmem>>, %arg11: memref<8x128xi32, #tpu.memory_space<vmem>>, %arg12: memref<512x384xi32, #tpu.memory_space<vmem>>, %arg13: memref<1x64xf32, #tpu.memory_space<vmem>>, %arg14: memref<1x64xf32, #tpu.memory_space<vmem>>, %arg15: memref<1x64xf32, #tpu.memory_space<vmem>>) attributes {dimension_semantics = [#tpu.dimension_semantics<arbitrary>], iteration_bounds = array<i64: 8>, scalar_prefetch = 0 : i64, scratch_operands = 3 : i64, tpu.core_type = #tpu.core_type<tc>, window_params = [{transform_indices = @transform_0, window_bounds = array<i64: 512, 768>}, {pipeline_mode = #tpu.pipeline_mode<synchronous>, transform_indices = @transform_1, window_bounds = array<i64: 64, 768>}, {pipeline_mode = #tpu.pipeline_mode<synchronous>, transform_indices = @transform_2, window_bounds = array<i64: 64, 64>}, {transform_indices = @transform_3, window_bounds = array<i64: 512>}, {transform_indices = @transform_4, window_bounds = array<i64: 512>}, {transform_indices = @transform_5, window_bounds = array<i64: 512>}, {transform_indices = @transform_6, window_bounds = array<i64: 512>}, {transform_indices = @transform_7, window_bounds = array<i64: 512, 16>}, {transform_indices = @transform_8, window_bounds = array<i64: 512, 16>}, {pipeline_mode = #tpu.pipeline_mode<synchronous>, transform_indices = @transform_9, window_bounds = array<i64: 8, 128>}, {pipeline_mode = #tpu.pipeline_mode<synchronous>, transform_indices = @transform_10, window_bounds = array<i64: 8, 128>}, {transform_indices = @transform_11, window_bounds = array<i64: 512, 384>}]} {
    %eq3A = arith.constant 0 : i32
    %eq3A_0 = arith.cmpi eq, %arg0, %eq3A : i32
    %convert_element_type3A = arith.extui %eq3A_0 : i1 to i32
    %cond3A = arith.constant 0 : i32
    %cond3A_1 = arith.cmpi ne, %convert_element_type3A, %cond3A : i32
    scf.if %cond3A_1 {
      %broadcast_in_dim3A_173 = arith.constant 0.000000e+00 : f32
      %broadcast_in_dim3A_174 = vector.broadcast %broadcast_in_dim3A_173 : f32 to vector<1x64xf32>
      %swap3A_175 = arith.constant 0 : index
      %swap3A_176 = arith.constant 0 : index
      %swap3A_177 = vector.load %arg13[%swap3A_175, %swap3A_176] : memref<1x64xf32, #tpu.memory_space<vmem>>, vector<1x64xf32>
      tpu.vector_store %arg13[%swap3A_175, %swap3A_176], %broadcast_in_dim3A_174 {strides = array<i32>} : memref<1x64xf32, #tpu.memory_space<vmem>>, vector<1x64xf32>,
      %broadcast_in_dim3A_178 = arith.constant 0.000000e+00 : f32
      %broadcast_in_dim3A_179 = vector.broadcast %broadcast_in_dim3A_178 : f32 to vector<1x64xf32>
      %swap3A_180 = arith.constant 0 : index
      %swap3A_181 = arith.constant 0 : index
      %swap3A_182 = vector.load %arg14[%swap3A_180, %swap3A_181] : memref<1x64xf32, #tpu.memory_space<vmem>>, vector<1x64xf32>
      tpu.vector_store %arg14[%swap3A_180, %swap3A_181], %broadcast_in_dim3A_179 {strides = array<i32>} : memref<1x64xf32, #tpu.memory_space<vmem>>, vector<1x64xf32>,
      %broadcast_in_dim3A_183 = arith.constant 0.000000e+00 : f32
      %broadcast_in_dim3A_184 = vector.broadcast %broadcast_in_dim3A_183 : f32 to vector<1x64xf32>
      %swap3A_185 = arith.constant 0 : index
      %swap3A_186 = arith.constant 0 : index
      %swap3A_187 = vector.load %arg15[%swap3A_185, %swap3A_186] : memref<1x64xf32, #tpu.memory_space<vmem>>, vector<1x64xf32>
      tpu.vector_store %arg15[%swap3A_185, %swap3A_186], %broadcast_in_dim3A_184 {strides = array<i32>} : memref<1x64xf32, #tpu.memory_space<vmem>>, vector<1x64xf32>,
    } else {
    }
    %get3A = arith.constant 0 : index
    %get3A_2 = arith.constant 0 : index
    %get3A_3 = vector.load %arg1[%get3A, %get3A_2] : memref<512x768xf32, #tpu.memory_space<vmem>>, vector<512x768xf32>
    %convert_element_type3A_4 = arith.truncf %get3A_3 : vector<512x768xf32> to vector<512x768xbf16>
    %bitcast_convert_type3A = tpu.bitcast %convert_element_type3A_4 : vector<512x768xbf16> -> vector<512x768xi16>
    %slice3A = vector.extract_strided_slice %bitcast_convert_type3A {offsets = [0, 0], sizes = [512, 384], strides = [1, 1]} : vector<512x768xi16> to vector<512x384xi16>
    %convert_element_type3A_5 = arith.extui %slice3A : vector<512x384xi16> to vector<512x384xi32>
    %slice3A_6 = vector.extract_strided_slice %bitcast_convert_type3A {offsets = [0, 384], sizes = [512, 384], strides = [1, 1]} : vector<512x768xi16> to vector<512x384xi16>
    %convert_element_type3A_7 = arith.extui %slice3A_6 : vector<512x384xi16> to vector<512x384xi32>
    %shift_left3A = arith.constant 16 : i32
    %shift_left3A_8 = vector.broadcast %shift_left3A : i32 to vector<512x384xi32>
    %shift_left3A_9 = arith.shli %convert_element_type3A_7, %shift_left3A_8 : vector<512x384xi32>
    %or3A = arith.ori %shift_left3A_9, %convert_element_type3A_5 : vector<512x384xi32>
    %bitcast_convert_type3A_10 = tpu.bitcast %or3A : vector<512x384xi32> -> vector<512x384xi32>
    %swap3A = arith.constant 0 : index
    %swap3A_11 = arith.constant 0 : index
    %swap3A_12 = vector.load %arg12[%swap3A, %swap3A_11] : memref<512x384xi32, #tpu.memory_space<vmem>>, vector<512x384xi32>
    tpu.vector_store %arg12[%swap3A, %swap3A_11], %bitcast_convert_type3A_10 {strides = array<i32>} : memref<512x384xi32, #tpu.memory_space<vmem>>, vector<512x384xi32>,
    %get3A_13 = arith.constant 0 : index
    %get3A_14 = arith.constant 0 : index
    %get3A_15 = vector.load %arg2[%get3A_13, %get3A_14] : memref<64x768xf32, #tpu.memory_space<vmem>>, vector<64x768xf32>
    %dot_general3A = arith.constant dense<0.000000e+00> : vector<512x64xf32>
    %dot_general3A_16 = tpu.matmul %get3A_3, %get3A_15, %dot_general3A {dimension_numbers = #tpu.dot_dimension_numbers<[1], [1], [0], [0], [0, 0, 1, 0], [], []>, transpose_lhs_hint = false} : vector<512x768xf32>, vector<64x768xf32>, vector<512x64xf32> -> vector<512x64xf32>
    %tanh3A = math.tanh %dot_general3A_16 : vector<512x64xf32>
    %get3A_17 = arith.constant 0 : index
    %get3A_18 = arith.constant 0 : index
    %get3A_19 = vector.load %arg3[%get3A_17, %get3A_18] : memref<64x64xf32, #tpu.memory_space<vmem>>, vector<64x64xf32>
    %dot_general3A_20 = arith.constant dense<0.000000e+00> : vector<512x64xf32>
    %dot_general3A_21 = tpu.matmul %tanh3A, %get3A_19, %dot_general3A_20 {dimension_numbers = #tpu.dot_dimension_numbers<[1], [1], [0], [0], [0, 0, 1, 0], [], []>, transpose_lhs_hint = false} : vector<512x64xf32>, vector<64x64xf32>, vector<512x64xf32> -> vector<512x64xf32>
    %iota3A = tpu.iota {dimensions = array<i32: 1>} : vector<512x64xi32>
    %reduce_max3A = arith.constant dense<0xFF800000> : vector<512xf32>
    %reduce_max3A_22 = vector.multi_reduction <maximumf>, %dot_general3A_21, %reduce_max3A [1] : vector<512x64xf32> to vector<512xf32>
    %broadcast_in_dim3A = vector.shape_cast %reduce_max3A_22 : vector<512xf32> to vector<512x1xf32>
    %eq3A_23 = vector.broadcast %broadcast_in_dim3A : vector<512x1xf32> to vector<512x64xf32>
    %eq3A_24 = arith.cmpf oeq, %dot_general3A_21, %eq3A_23 : vector<512x64xf32>
    %jit3A = arith.constant 64 : i32
    %broadcast_in_dim3A_25 = vector.broadcast %jit3A : i32 to vector<512x64xi32>
    %select_n3A = arith.select %eq3A_24, %iota3A, %broadcast_in_dim3A_25 : vector<512x64xi1>, vector<512x64xi32>
    %reduce_min3A = arith.constant dense<2147483647> : vector<512xi32>
    %reduce_min3A_26 = vector.multi_reduction <minsi>, %select_n3A, %reduce_min3A [1] : vector<512x64xi32> to vector<512xi32>
    %broadcast_in_dim3A_27 = vector.shape_cast %reduce_min3A_26 : vector<512xi32> to vector<512x1xi32>
    %eq3A_28 = vector.broadcast %broadcast_in_dim3A_27 : vector<512x1xi32> to vector<512x64xi32>
    %eq3A_29 = arith.cmpi eq, %iota3A, %eq3A_28 : vector<512x64xi32>
    %jit3A_30 = arith.constant 0xFF800000 : f32
    %broadcast_in_dim3A_31 = vector.broadcast %jit3A_30 : f32 to vector<512x64xf32>
    %select_n3A_32 = arith.select %eq3A_29, %broadcast_in_dim3A_31, %dot_general3A_21 : vector<512x64xi1>, vector<512x64xf32>
    %reduce_max3A_33 = arith.constant dense<0xFF800000> : vector<512xf32>
    %reduce_max3A_34 = vector.multi_reduction <maximumf>, %select_n3A_32, %reduce_max3A_33 [1] : vector<512x64xf32> to vector<512xf32>
    %broadcast_in_dim3A_35 = vector.shape_cast %reduce_max3A_34 : vector<512xf32> to vector<512x1xf32>
    %eq3A_36 = vector.broadcast %broadcast_in_dim3A_35 : vector<512x1xf32> to vector<512x64xf32>
    %eq3A_37 = arith.cmpf oeq, %select_n3A_32, %eq3A_36 : vector<512x64xf32>
    %jit3A_38 = arith.constant 64 : i32
    %broadcast_in_dim3A_39 = vector.broadcast %jit3A_38 : i32 to vector<512x64xi32>
    %select_n3A_40 = arith.select %eq3A_37, %iota3A, %broadcast_in_dim3A_39 : vector<512x64xi1>, vector<512x64xi32>
    %reduce_min3A_41 = arith.constant dense<2147483647> : vector<512xi32>
    %reduce_min3A_42 = vector.multi_reduction <minsi>, %select_n3A_40, %reduce_min3A_41 [1] : vector<512x64xi32> to vector<512xi32>
    %broadcast_in_dim3A_43 = vector.shape_cast %reduce_min3A_42 : vector<512xi32> to vector<512x1xi32>
    %sub3A = arith.subf %broadcast_in_dim3A_35, %broadcast_in_dim3A : vector<512x1xf32>
    %exp3A = math.exp %sub3A : vector<512x1xf32>
    %add3A = arith.constant 1.000000e+00 : f32
    %add3A_44 = vector.broadcast %add3A : f32 to vector<512x1xf32>
    %add3A_45 = arith.addf %add3A_44, %exp3A : vector<512x1xf32>
    %div3A = arith.constant 1.000000e+00 : f32
    %div3A_46 = vector.broadcast %div3A : f32 to vector<512x1xf32>
    %div3A_47 = arith.divf %div3A_46, %add3A_45 : vector<512x1xf32>
    %mul3A = arith.mulf %exp3A, %div3A_47 : vector<512x1xf32>
    %eq3A_48 = vector.broadcast %broadcast_in_dim3A_27 : vector<512x1xi32> to vector<512x64xi32>
    %eq3A_49 = arith.cmpi eq, %iota3A, %eq3A_48 : vector<512x64xi32>
    %convert_element_type3A_50 = arith.extui %eq3A_49 : vector<512x64xi1> to vector<512x64xi32>
    %convert_element_type3A_51 = arith.sitofp %convert_element_type3A_50 : vector<512x64xi32> to vector<512x64xf32>
    %eq3A_52 = vector.broadcast %broadcast_in_dim3A_43 : vector<512x1xi32> to vector<512x64xi32>
    %eq3A_53 = arith.cmpi eq, %iota3A, %eq3A_52 : vector<512x64xi32>
    %convert_element_type3A_54 = arith.extui %eq3A_53 : vector<512x64xi1> to vector<512x64xi32>
    %convert_element_type3A_55 = arith.sitofp %convert_element_type3A_54 : vector<512x64xi32> to vector<512x64xf32>
    %add3A_56 = arith.addf %convert_element_type3A_51, %convert_element_type3A_55 : vector<512x64xf32>
    %get3A_57 = arith.constant 0 : index
    %get3A_58 = arith.constant 0 : index
    %get3A_59 = vector.load %arg14[%get3A_57, %get3A_58] : memref<1x64xf32, #tpu.memory_space<vmem>>, vector<1x64xf32>
    %mul3A_60 = vector.broadcast %div3A_47 : vector<512x1xf32> to vector<512x64xf32>
    %mul3A_61 = arith.mulf %convert_element_type3A_51, %mul3A_60 : vector<512x64xf32>
    %mul3A_62 = vector.broadcast %mul3A : vector<512x1xf32> to vector<512x64xf32>
    %mul3A_63 = arith.mulf %convert_element_type3A_55, %mul3A_62 : vector<512x64xf32>
    %add3A_64 = arith.addf %mul3A_61, %mul3A_63 : vector<512x64xf32>
    %reduce_sum3A = arith.constant dense<0.000000e+00> : vector<64xf32>
    %reduce_sum3A_65 = vector.multi_reduction <add>, %add3A_64, %reduce_sum3A [0] : vector<512x64xf32> to vector<64xf32>
    %broadcast_in_dim3A_66 = vector.shape_cast %reduce_sum3A_65 : vector<64xf32> to vector<1x64xf32>
    %add3A_67 = arith.addf %get3A_59, %broadcast_in_dim3A_66 : vector<1x64xf32>
    %swap3A_68 = arith.constant 0 : index
    %swap3A_69 = arith.constant 0 : index
    %swap3A_70 = vector.load %arg14[%swap3A_68, %swap3A_69] : memref<1x64xf32, #tpu.memory_space<vmem>>, vector<1x64xf32>
    tpu.vector_store %arg14[%swap3A_68, %swap3A_69], %add3A_67 {strides = array<i32>} : memref<1x64xf32, #tpu.memory_space<vmem>>, vector<1x64xf32>,
    %reduce_sum3A_71 = arith.constant dense<0.000000e+00> : vector<64xf32>
    %reduce_sum3A_72 = vector.multi_reduction <add>, %add3A_56, %reduce_sum3A_71 [0] : vector<512x64xf32> to vector<64xf32>
    %broadcast_in_dim3A_73 = vector.shape_cast %reduce_sum3A_72 : vector<64xf32> to vector<1x64xf32>
    %get3A_74 = arith.constant 0 : index
    %get3A_75 = arith.constant 0 : index
    %get3A_76 = vector.load %arg15[%get3A_74, %get3A_75] : memref<1x64xf32, #tpu.memory_space<vmem>>, vector<1x64xf32>
    %add3A_77 = arith.addf %get3A_76, %broadcast_in_dim3A_73 : vector<1x64xf32>
    %swap3A_78 = arith.constant 0 : index
    %swap3A_79 = arith.constant 0 : index
    %swap3A_80 = vector.load %arg15[%swap3A_78, %swap3A_79] : memref<1x64xf32, #tpu.memory_space<vmem>>, vector<1x64xf32>
    tpu.vector_store %arg15[%swap3A_78, %swap3A_79], %add3A_77 {strides = array<i32>} : memref<1x64xf32, #tpu.memory_space<vmem>>, vector<1x64xf32>,
    %iota3A_81 = tpu.iota {dimensions = array<i32: 0>} : vector<512x512xi32>
    %iota3A_82 = tpu.iota {dimensions = array<i32: 1>} : vector<512x512xi32>
    %lt3A = arith.cmpi slt, %iota3A_82, %iota3A_81 : vector<512x512xi32>
    %convert_element_type3A_83 = arith.extui %lt3A : vector<512x512xi1> to vector<512x512xi32>
    %convert_element_type3A_84 = arith.sitofp %convert_element_type3A_83 : vector<512x512xi32> to vector<512x512xf32>
    %convert_element_type3A_85 = arith.truncf %convert_element_type3A_84 : vector<512x512xf32> to vector<512x512xbf16>
    %convert_element_type3A_86 = arith.truncf %add3A_56 : vector<512x64xf32> to vector<512x64xbf16>
    %dot_general3A_87 = arith.constant dense<0.000000e+00> : vector<512x64xf32>
    %dot_general3A_88 = tpu.matmul %convert_element_type3A_85, %convert_element_type3A_86, %dot_general3A_87 {dimension_numbers = #tpu.dot_dimension_numbers<[1], [0], [0], [1], [0, 0, 1, 1], [], []>, transpose_lhs_hint = false} : vector<512x512xbf16>, vector<512x64xbf16>, vector<512x64xf32> -> vector<512x64xf32>
    %get3A_89 = arith.constant 0 : index
    %get3A_90 = arith.constant 0 : index
    %get3A_91 = vector.load %arg13[%get3A_89, %get3A_90] : memref<1x64xf32, #tpu.memory_space<vmem>>, vector<1x64xf32>
    %add3A_92 = vector.broadcast %get3A_91 : vector<1x64xf32> to vector<512x64xf32>
    %add3A_93 = arith.addf %add3A_92, %dot_general3A_88 : vector<512x64xf32>
    %mul3A_94 = arith.mulf %add3A_93, %convert_element_type3A_51 : vector<512x64xf32>
    %reduce_sum3A_95 = arith.constant dense<0.000000e+00> : vector<512xf32>
    %reduce_sum3A_96 = vector.multi_reduction <add>, %mul3A_94, %reduce_sum3A_95 [1] : vector<512x64xf32> to vector<512xf32>
    %broadcast_in_dim3A_97 = vector.shape_cast %reduce_sum3A_96 : vector<512xf32> to vector<512x1xf32>
    %round3A = math.roundeven %broadcast_in_dim3A_97 : vector<512x1xf32>
    %mul3A_98 = arith.mulf %add3A_93, %convert_element_type3A_55 : vector<512x64xf32>
    %reduce_sum3A_99 = arith.constant dense<0.000000e+00> : vector<512xf32>
    %reduce_sum3A_100 = vector.multi_reduction <add>, %mul3A_98, %reduce_sum3A_99 [1] : vector<512x64xf32> to vector<512xf32>
    %broadcast_in_dim3A_101 = vector.shape_cast %reduce_sum3A_100 : vector<512xf32> to vector<512x1xf32>
    %round3A_102 = math.roundeven %broadcast_in_dim3A_101 : vector<512x1xf32>
    %get3A_103 = arith.constant 0 : index
    %get3A_104 = arith.constant 0 : index
    %get3A_105 = vector.load %arg13[%get3A_103, %get3A_104] : memref<1x64xf32, #tpu.memory_space<vmem>>, vector<1x64xf32>
    %add3A_106 = arith.addf %get3A_105, %broadcast_in_dim3A_73 : vector<1x64xf32>
    %swap3A_107 = arith.constant 0 : index
    %swap3A_108 = arith.constant 0 : index
    %swap3A_109 = vector.load %arg13[%swap3A_107, %swap3A_108] : memref<1x64xf32, #tpu.memory_space<vmem>>, vector<1x64xf32>
    tpu.vector_store %arg13[%swap3A_107, %swap3A_108], %add3A_106 {strides = array<i32>} : memref<1x64xf32, #tpu.memory_space<vmem>>, vector<1x64xf32>,
    %lt3A_110 = arith.constant 3.840000e+02 : f32
    %lt3A_111 = vector.broadcast %lt3A_110 : f32 to vector<512x1xf32>
    %lt3A_112 = arith.cmpf olt, %round3A, %lt3A_111 : vector<512x1xf32>
    %lt3A_113 = arith.constant 3.840000e+02 : f32
    %lt3A_114 = vector.broadcast %lt3A_113 : f32 to vector<512x1xf32>
    %lt3A_115 = arith.cmpf olt, %round3A_102, %lt3A_114 : vector<512x1xf32>
    %jit3A_116 = arith.constant 0.000000e+00 : f32
    %broadcast_in_dim3A_117 = vector.broadcast %jit3A_116 : f32 to vector<512x1xf32>
    %select_n3A_118 = arith.select %lt3A_112, %div3A_47, %broadcast_in_dim3A_117 : vector<512x1xi1>, vector<512x1xf32>
    %broadcast_in_dim3A_119 = vector.shape_cast %select_n3A_118 : vector<512x1xf32> to vector<512x1xf32>
    %broadcast_in_dim3A_120 = vector.broadcast %broadcast_in_dim3A_119 : vector<512x1xf32> to vector<512x16xf32>
    %swap3A_121 = arith.constant 0 : index
    %swap3A_122 = arith.constant 0 : index
    %swap3A_123 = vector.load %arg8[%swap3A_121, %swap3A_122] : memref<512x16xf32, #tpu.memory_space<vmem>>, vector<512x16xf32>
    tpu.vector_store %arg8[%swap3A_121, %swap3A_122], %broadcast_in_dim3A_120 {strides = array<i32>} : memref<512x16xf32, #tpu.memory_space<vmem>>, vector<512x16xf32>,
    %jit3A_124 = arith.constant 0.000000e+00 : f32
    %broadcast_in_dim3A_125 = vector.broadcast %jit3A_124 : f32 to vector<512x1xf32>
    %select_n3A_126 = arith.select %lt3A_115, %mul3A, %broadcast_in_dim3A_125 : vector<512x1xi1>, vector<512x1xf32>
    %broadcast_in_dim3A_127 = vector.shape_cast %select_n3A_126 : vector<512x1xf32> to vector<512x1xf32>
    %broadcast_in_dim3A_128 = vector.broadcast %broadcast_in_dim3A_127 : vector<512x1xf32> to vector<512x16xf32>
    %swap3A_129 = arith.constant 0 : index
    %swap3A_130 = arith.constant 0 : index
    %swap3A_131 = vector.load %arg9[%swap3A_129, %swap3A_130] : memref<512x16xf32, #tpu.memory_space<vmem>>, vector<512x16xf32>
    tpu.vector_store %arg9[%swap3A_129, %swap3A_130], %broadcast_in_dim3A_128 {strides = array<i32>} : memref<512x16xf32, #tpu.memory_space<vmem>>, vector<512x16xf32>,
    %sub3A_132 = arith.constant 3.840000e+02 : f32
    %sub3A_133 = arith.constant 1.000000e+00 : f32
    %sub3A_134 = arith.subf %sub3A_132, %sub3A_133 : f32
    %min3A = vector.broadcast %sub3A_134 : f32 to vector<512x1xf32>
    %min3A_135 = arith.minimumf %round3A, %min3A : vector<512x1xf32>
    %convert_element_type3A_136 = arith.fptosi %min3A_135 : vector<512x1xf32> to vector<512x1xi32>
    %sub3A_137 = arith.constant 3.840000e+02 : f32
    %sub3A_138 = arith.constant 1.000000e+00 : f32
    %sub3A_139 = arith.subf %sub3A_137, %sub3A_138 : f32
    %min3A_140 = vector.broadcast %sub3A_139 : f32 to vector<512x1xf32>
    %min3A_141 = arith.minimumf %round3A_102, %min3A_140 : vector<512x1xf32>
    %convert_element_type3A_142 = arith.fptosi %min3A_141 : vector<512x1xf32> to vector<512x1xi32>
    %mul3A_143 = arith.constant 384 : i32
    %mul3A_144 = vector.broadcast %mul3A_143 : i32 to vector<512x1xi32>
    %mul3A_145 = arith.muli %broadcast_in_dim3A_27, %mul3A_144 : vector<512x1xi32>
    %add3A_146 = arith.addi %mul3A_145, %convert_element_type3A_136 : vector<512x1xi32>
    %mul3A_147 = arith.constant 384 : i32
    %mul3A_148 = vector.broadcast %mul3A_147 : i32 to vector<512x1xi32>
    %mul3A_149 = arith.muli %broadcast_in_dim3A_43, %mul3A_148 : vector<512x1xi32>
    %add3A_150 = arith.addi %mul3A_149, %convert_element_type3A_142 : vector<512x1xi32>
    %reshape3A = vector.shape_cast %add3A_146 : vector<512x1xi32> to vector<512xi32>
    %swap3A_151 = arith.constant 0 : index
    %swap3A_152 = vector.load %arg6[%swap3A_151] : memref<512xi32, #tpu.memory_space<vmem>>, vector<512xi32>
    tpu.vector_store %arg6[%swap3A_151], %reshape3A {strides = array<i32>} : memref<512xi32, #tpu.memory_space<vmem>>, vector<512xi32>,
    %reshape3A_153 = vector.shape_cast %add3A_150 : vector<512x1xi32> to vector<512xi32>
    %swap3A_154 = arith.constant 0 : index
    %swap3A_155 = vector.load %arg7[%swap3A_154] : memref<512xi32, #tpu.memory_space<vmem>>, vector<512xi32>
    tpu.vector_store %arg7[%swap3A_154], %reshape3A_153 {strides = array<i32>} : memref<512xi32, #tpu.memory_space<vmem>>, vector<512xi32>,
    %jit3A_156 = arith.constant 24576 : i32
    %broadcast_in_dim3A_157 = vector.broadcast %jit3A_156 : i32 to vector<512x1xi32>
    %select_n3A_158 = arith.select %lt3A_112, %add3A_146, %broadcast_in_dim3A_157 : vector<512x1xi1>, vector<512x1xi32>
    %reshape3A_159 = vector.shape_cast %select_n3A_158 : vector<512x1xi32> to vector<512xi32>
    %swap3A_160 = arith.constant 0 : index
    %swap3A_161 = vector.load %arg4[%swap3A_160] : memref<512xi32, #tpu.memory_space<vmem>>, vector<512xi32>
    tpu.vector_store %arg4[%swap3A_160], %reshape3A_159 {strides = array<i32>} : memref<512xi32, #tpu.memory_space<vmem>>, vector<512xi32>,
    %jit3A_162 = arith.constant 24576 : i32
    %broadcast_in_dim3A_163 = vector.broadcast %jit3A_162 : i32 to vector<512x1xi32>
    %select_n3A_164 = arith.select %lt3A_115, %add3A_150, %broadcast_in_dim3A_163 : vector<512x1xi1>, vector<512x1xi32>
    %reshape3A_165 = vector.shape_cast %select_n3A_164 : vector<512x1xi32> to vector<512xi32>
    %swap3A_166 = arith.constant 0 : index
    %swap3A_167 = vector.load %arg5[%swap3A_166] : memref<512xi32, #tpu.memory_space<vmem>>, vector<512xi32>
    tpu.vector_store %arg5[%swap3A_166], %reshape3A_165 {strides = array<i32>} : memref<512xi32, #tpu.memory_space<vmem>>, vector<512xi32>,
    %eq3A_168 = arith.constant 7 : i32
    %eq3A_169 = arith.cmpi eq, %arg0, %eq3A_168 : i32
    %convert_element_type3A_170 = arith.extui %eq3A_169 : i1 to i32
    %cond3A_171 = arith.constant 0 : i32
    %cond3A_172 = arith.cmpi ne, %convert_element_type3A_170, %cond3A_171 : i32
    scf.if %cond3A_172 {
      %get3A_173 = arith.constant 0 : index
      %get3A_174 = arith.constant 0 : index
      %get3A_175 = vector.load %arg14[%get3A_173, %get3A_174] : memref<1x64xf32, #tpu.memory_space<vmem>>, vector<1x64xf32>
      %reduce_sum3A_176 = vector.shape_cast %get3A_175 : vector<1x64xf32> to vector<1x1x64xf32>
      %reduce_sum3A_177 = arith.constant dense<0.000000e+00> : vector<1xf32>
      %reduce_sum3A_178 = vector.multi_reduction <add>, %reduce_sum3A_176, %reduce_sum3A_177 [1, 2] : vector<1x1x64xf32> to vector<1xf32>
      %reduce_sum3A_179 = vector.shape_cast %reduce_sum3A_178 : vector<1xf32> to vector<1x1x1xf32>
      %reduce_sum3A_180 = vector.extract %reduce_sum3A_179[0, 0, 0] : f32 from vector<1x1x1xf32>
      %div3A_181 = arith.constant 6.400000e+01 : f32
      %div3A_182 = arith.divf %reduce_sum3A_180, %div3A_181 : f32
      %sub3A_183 = vector.broadcast %div3A_182 : f32 to vector<1x64xf32>
      %sub3A_184 = arith.subf %get3A_175, %sub3A_183 : vector<1x64xf32>
      %sub3A_185 = vector.broadcast %div3A_182 : f32 to vector<1x64xf32>
      %sub3A_186 = arith.subf %get3A_175, %sub3A_185 : vector<1x64xf32>
      %mul3A_187 = arith.mulf %sub3A_184, %sub3A_186 : vector<1x64xf32>
      %reduce_sum3A_188 = vector.shape_cast %mul3A_187 : vector<1x64xf32> to vector<1x1x64xf32>
      %reduce_sum3A_189 = arith.constant dense<0.000000e+00> : vector<1xf32>
      %reduce_sum3A_190 = vector.multi_reduction <add>, %reduce_sum3A_188, %reduce_sum3A_189 [1, 2] : vector<1x1x64xf32> to vector<1xf32>
      %reduce_sum3A_191 = vector.shape_cast %reduce_sum3A_190 : vector<1xf32> to vector<1x1x1xf32>
      %reduce_sum3A_192 = vector.extract %reduce_sum3A_191[0, 0, 0] : f32 from vector<1x1x1xf32>
      %div3A_193 = arith.constant 6.300000e+01 : f32
      %div3A_194 = arith.divf %reduce_sum3A_192, %div3A_193 : f32
      %mul3A_195 = arith.mulf %div3A_182, %div3A_182 : f32
      %add3A_196 = arith.constant 1.000000e-10 : f32
      %add3A_197 = arith.addf %mul3A_195, %add3A_196 : f32
      %div3A_198 = arith.divf %div3A_194, %add3A_197 : f32
      %get3A_199 = arith.constant 0 : index
      %get3A_200 = arith.constant 0 : index
      %get3A_201 = vector.load %arg15[%get3A_199, %get3A_200] : memref<1x64xf32, #tpu.memory_space<vmem>>, vector<1x64xf32>
      %reduce_sum3A_202 = vector.shape_cast %get3A_201 : vector<1x64xf32> to vector<1x1x64xf32>
      %reduce_sum3A_203 = arith.constant dense<0.000000e+00> : vector<1xf32>
      %reduce_sum3A_204 = vector.multi_reduction <add>, %reduce_sum3A_202, %reduce_sum3A_203 [1, 2] : vector<1x1x64xf32> to vector<1xf32>
      %reduce_sum3A_205 = vector.shape_cast %reduce_sum3A_204 : vector<1xf32> to vector<1x1x1xf32>
      %reduce_sum3A_206 = vector.extract %reduce_sum3A_205[0, 0, 0] : f32 from vector<1x1x1xf32>
      %div3A_207 = arith.constant 6.400000e+01 : f32
      %div3A_208 = arith.divf %reduce_sum3A_206, %div3A_207 : f32
      %sub3A_209 = vector.broadcast %div3A_208 : f32 to vector<1x64xf32>
      %sub3A_210 = arith.subf %get3A_201, %sub3A_209 : vector<1x64xf32>
      %sub3A_211 = vector.broadcast %div3A_208 : f32 to vector<1x64xf32>
      %sub3A_212 = arith.subf %get3A_201, %sub3A_211 : vector<1x64xf32>
      %mul3A_213 = arith.mulf %sub3A_210, %sub3A_212 : vector<1x64xf32>
      %reduce_sum3A_214 = vector.shape_cast %mul3A_213 : vector<1x64xf32> to vector<1x1x64xf32>
      %reduce_sum3A_215 = arith.constant dense<0.000000e+00> : vector<1xf32>
      %reduce_sum3A_216 = vector.multi_reduction <add>, %reduce_sum3A_214, %reduce_sum3A_215 [1, 2] : vector<1x1x64xf32> to vector<1xf32>
      %reduce_sum3A_217 = vector.shape_cast %reduce_sum3A_216 : vector<1xf32> to vector<1x1x1xf32>
      %reduce_sum3A_218 = vector.extract %reduce_sum3A_217[0, 0, 0] : f32 from vector<1x1x1xf32>
      %div3A_219 = arith.constant 6.300000e+01 : f32
      %div3A_220 = arith.divf %reduce_sum3A_218, %div3A_219 : f32
      %mul3A_221 = arith.mulf %div3A_208, %div3A_208 : f32
      %add3A_222 = arith.constant 1.000000e-10 : f32
      %add3A_223 = arith.addf %mul3A_221, %add3A_222 : f32
      %div3A_224 = arith.divf %div3A_220, %add3A_223 : f32
      %add3A_225 = arith.addf %div3A_198, %div3A_224 : f32
      %mul3A_226 = arith.constant 0.00999999977 : f32
      %mul3A_227 = arith.mulf %add3A_225, %mul3A_226 : f32
      %broadcast_in_dim3A_228 = vector.broadcast %mul3A_227 : f32 to vector<8x128xf32>
      %swap3A_229 = arith.constant 0 : index
      %swap3A_230 = arith.constant 0 : index
      %swap3A_231 = vector.load %arg10[%swap3A_229, %swap3A_230] : memref<8x128xf32, #tpu.memory_space<vmem>>, vector<8x128xf32>
      tpu.vector_store %arg10[%swap3A_229, %swap3A_230], %broadcast_in_dim3A_228 {strides = array<i32>} : memref<8x128xf32, #tpu.memory_space<vmem>>, vector<8x128xf32>,
      %get3A_232 = arith.constant 0 : index
      %get3A_233 = arith.constant 0 : index
      %get3A_234 = vector.load %arg13[%get3A_232, %get3A_233] : memref<1x64xf32, #tpu.memory_space<vmem>>, vector<1x64xf32>
      %min3A_235 = arith.constant 3.840000e+02 : f32
      %min3A_236 = vector.broadcast %min3A_235 : f32 to vector<1x64xf32>
      %min3A_237 = arith.minimumf %get3A_234, %min3A_236 : vector<1x64xf32>
      %mul3A_238 = arith.constant 7.812500e-03 : f32
      %mul3A_239 = vector.broadcast %mul3A_238 : f32 to vector<1x64xf32>
      %mul3A_240 = arith.mulf %min3A_237, %mul3A_239 : vector<1x64xf32>
      %ceil3A = math.ceil %mul3A_240 : vector<1x64xf32>
      %jit3A_241 = arith.constant 1.000000e+00 : f32
      %jit3A_242 = arith.constant 3 : i32
      %max3A = vector.broadcast %jit3A_241 : f32 to vector<1x64xf32>
      %max3A_243 = arith.maximumf %max3A, %ceil3A : vector<1x64xf32>
      %convert_element_type3A_244 = arith.sitofp %jit3A_242 : i32 to f32
      %min3A_245 = vector.broadcast %convert_element_type3A_244 : f32 to vector<1x64xf32>
      %min3A_246 = arith.minimumf %min3A_245, %max3A_243 : vector<1x64xf32>
      %broadcast_in_dim3A_247 = arith.constant 0.000000e+00 : f32
      %broadcast_in_dim3A_248 = vector.broadcast %broadcast_in_dim3A_247 : f32 to vector<1x64xf32>
      %concatenate3A = tpu.concatenate %min3A_246, %broadcast_in_dim3A_248 in 1 : vector<1x64xf32>, vector<1x64xf32> -> vector<1x128xf32>
      %broadcast_in_dim3A_249 = vector.shape_cast %concatenate3A : vector<1x128xf32> to vector<1x128xf32>
      %broadcast_in_dim3A_250 = vector.broadcast %broadcast_in_dim3A_249 : vector<1x128xf32> to vector<8x128xf32>
      %convert_element_type3A_251 = arith.fptosi %broadcast_in_dim3A_250 : vector<8x128xf32> to vector<8x128xi32>
      %swap3A_252 = arith.constant 0 : index
      %swap3A_253 = arith.constant 0 : index
      %swap3A_254 = vector.load %arg11[%swap3A_252, %swap3A_253] : memref<8x128xi32, #tpu.memory_space<vmem>>, vector<8x128xi32>
      tpu.vector_store %arg11[%swap3A_252, %swap3A_253], %convert_element_type3A_251 {strides = array<i32>} : memref<8x128xi32, #tpu.memory_space<vmem>>, vector<8x128xi32>,
    } else {
    }
    return
  }
  func.func @transform_0(%arg0: i32) -> (i32, i32) {
    %c0_i32 = arith.constant 0 : i32
    %c0_i32_0 = arith.constant 0 : i32
    return %arg0, %c0_i32 : i32, i32
  }
  func.func @transform_1(%arg0: i32) -> (i32, i32) {
    %c0_i32 = arith.constant 0 : i32
    %c0_i32_0 = arith.constant 0 : i32
    %c0_i32_1 = arith.constant 0 : i32
    return %c0_i32, %c0_i32_0 : i32, i32
  }
  func.func @transform_2(%arg0: i32) -> (i32, i32) {
    %c0_i32 = arith.constant 0 : i32
    %c0_i32_0 = arith.constant 0 : i32
    %c0_i32_1 = arith.constant 0 : i32
    return %c0_i32, %c0_i32_0 : i32, i32
  }
  func.func @transform_3(%arg0: i32) -> i32 {
    %c0_i32 = arith.constant 0 : i32
    return %arg0 : i32
  }
  func.func @transform_4(%arg0: i32) -> i32 {
    %c0_i32 = arith.constant 0 : i32
    return %arg0 : i32
  }
  func.func @transform_5(%arg0: i32) -> i32 {
    %c0_i32 = arith.constant 0 : i32
    return %arg0 : i32
  }
  func.func @transform_6(%arg0: i32) -> i32 {
    %c0_i32 = arith.constant 0 : i32
    return %arg0 : i32
  }
  func.func @transform_7(%arg0: i32) -> (i32, i32) {
    %c0_i32 = arith.constant 0 : i32
    %c0_i32_0 = arith.constant 0 : i32
    return %arg0, %c0_i32 : i32, i32
  }
  func.func @transform_8(%arg0: i32) -> (i32, i32) {
    %c0_i32 = arith.constant 0 : i32
    %c0_i32_0 = arith.constant 0 : i32
    return %arg0, %c0_i32 : i32, i32
  }
  func.func @transform_9(%arg0: i32) -> (i32, i32) {
    %c0_i32 = arith.constant 0 : i32
    %c0_i32_0 = arith.constant 0 : i32
    %c0_i32_1 = arith.constant 0 : i32
    return %c0_i32, %c0_i32_0 : i32, i32
  }
  func.func @transform_10(%arg0: i32) -> (i32, i32) {
    %c0_i32 = arith.constant 0 : i32
    %c0_i32_0 = arith.constant 0 : i32
    %c0_i32_1 = arith.constant 0 : i32
    return %c0_i32, %c0_i32_0 : i32, i32
  }
  func.func @transform_11(%arg0: i32) -> (i32, i32) {
    %c0_i32 = arith.constant 0 : i32
    %c0_i32_0 = arith.constant 0 : i32
    return %arg0, %c0_i32 : i32, i32
  }
}

module attributes {stable_mosaic.version = 14 : i64} {
  func.func @_wadd_body(%arg0: i32, %arg1: memref<512x384xi32, #tpu.memory_space<vmem>>, %arg2: memref<512x384xi32, #tpu.memory_space<vmem>>, %arg3: memref<512x16xf32, #tpu.memory_space<vmem>>, %arg4: memref<512x16xf32, #tpu.memory_space<vmem>>, %arg5: memref<512x768xf32, #tpu.memory_space<vmem>>) attributes {dimension_semantics = [#tpu.dimension_semantics<arbitrary>], iteration_bounds = array<i64: 8>, scalar_prefetch = 0 : i64, scratch_operands = 0 : i64, tpu.core_type = #tpu.core_type<tc>, window_params = [{transform_indices = @transform_0, window_bounds = array<i64: 512, 384>}, {transform_indices = @transform_1, window_bounds = array<i64: 512, 384>}, {transform_indices = @transform_2, window_bounds = array<i64: 512, 16>}, {transform_indices = @transform_3, window_bounds = array<i64: 512, 16>}, {transform_indices = @transform_4, window_bounds = array<i64: 512, 768>}]} {
    %get3A = arith.constant 0 : index
    %get3A_0 = arith.constant 0 : index
    %get3A_1 = vector.load %arg1[%get3A, %get3A_0] : memref<512x384xi32, #tpu.memory_space<vmem>>, vector<512x384xi32>
    %get3A_2 = arith.constant 0 : index
    %get3A_3 = arith.constant 0 : index
    %get3A_4 = vector.load %arg2[%get3A_2, %get3A_3] : memref<512x384xi32, #tpu.memory_space<vmem>>, vector<512x384xi32>
    %get3A_5 = arith.constant 0 : index
    %get3A_6 = arith.constant 0 : index
    %get3A_7 = vector.load %arg3[%get3A_5, %get3A_6] : memref<512x16xf32, #tpu.memory_space<vmem>>, vector<512x1xf32>
    %get3A_8 = arith.constant 0 : index
    %get3A_9 = arith.constant 0 : index
    %get3A_10 = vector.load %arg4[%get3A_8, %get3A_9] : memref<512x16xf32, #tpu.memory_space<vmem>>, vector<512x1xf32>
    %shift_left3A = arith.constant 16 : i32
    %shift_left3A_11 = vector.broadcast %shift_left3A : i32 to vector<512x384xi32>
    %shift_left3A_12 = arith.shli %get3A_1, %shift_left3A_11 : vector<512x384xi32>
    %bitcast_convert_type3A = tpu.bitcast %shift_left3A_12 : vector<512x384xi32> -> vector<512x384xf32>
    %mul3A = vector.broadcast %get3A_7 : vector<512x1xf32> to vector<512x384xf32>
    %mul3A_13 = arith.mulf %mul3A, %bitcast_convert_type3A : vector<512x384xf32>
    %shift_left3A_14 = arith.constant 16 : i32
    %shift_left3A_15 = vector.broadcast %shift_left3A_14 : i32 to vector<512x384xi32>
    %shift_left3A_16 = arith.shli %get3A_4, %shift_left3A_15 : vector<512x384xi32>
    %bitcast_convert_type3A_17 = tpu.bitcast %shift_left3A_16 : vector<512x384xi32> -> vector<512x384xf32>
    %mul3A_18 = vector.broadcast %get3A_10 : vector<512x1xf32> to vector<512x384xf32>
    %mul3A_19 = arith.mulf %mul3A_18, %bitcast_convert_type3A_17 : vector<512x384xf32>
    %add3A = arith.addf %mul3A_13, %mul3A_19 : vector<512x384xf32>
    %swap3A = arith.constant 0 : index
    %swap3A_20 = arith.constant 0 : index
    %swap3A_21 = vector.load %arg5[%swap3A, %swap3A_20] : memref<512x768xf32, #tpu.memory_space<vmem>>, vector<512x384xf32>
    tpu.vector_store %arg5[%swap3A, %swap3A_20], %add3A {strides = array<i32>} : memref<512x768xf32, #tpu.memory_space<vmem>>, vector<512x384xf32>,
    %and3A = arith.constant -65536 : i32
    %and3A_22 = vector.broadcast %and3A : i32 to vector<512x384xi32>
    %and3A_23 = arith.andi %get3A_1, %and3A_22 : vector<512x384xi32>
    %bitcast_convert_type3A_24 = tpu.bitcast %and3A_23 : vector<512x384xi32> -> vector<512x384xf32>
    %mul3A_25 = vector.broadcast %get3A_7 : vector<512x1xf32> to vector<512x384xf32>
    %mul3A_26 = arith.mulf %mul3A_25, %bitcast_convert_type3A_24 : vector<512x384xf32>
    %and3A_27 = arith.constant -65536 : i32
    %and3A_28 = vector.broadcast %and3A_27 : i32 to vector<512x384xi32>
    %and3A_29 = arith.andi %get3A_4, %and3A_28 : vector<512x384xi32>
    %bitcast_convert_type3A_30 = tpu.bitcast %and3A_29 : vector<512x384xi32> -> vector<512x384xf32>
    %mul3A_31 = vector.broadcast %get3A_10 : vector<512x1xf32> to vector<512x384xf32>
    %mul3A_32 = arith.mulf %mul3A_31, %bitcast_convert_type3A_30 : vector<512x384xf32>
    %add3A_33 = arith.addf %mul3A_26, %mul3A_32 : vector<512x384xf32>
    %swap3A_34 = arith.constant 0 : index
    %swap3A_35 = arith.constant 384 : index
    %swap3A_36 = vector.load %arg5[%swap3A_34, %swap3A_35] : memref<512x768xf32, #tpu.memory_space<vmem>>, vector<512x384xf32>
    tpu.vector_store %arg5[%swap3A_34, %swap3A_35], %add3A_33 {strides = array<i32>} : memref<512x768xf32, #tpu.memory_space<vmem>>, vector<512x384xf32>,
    return
  }
  func.func @transform_0(%arg0: i32) -> (i32, i32) {
    %c0_i32 = arith.constant 0 : i32
    %c0_i32_0 = arith.constant 0 : i32
    return %arg0, %c0_i32 : i32, i32
  }
  func.func @transform_1(%arg0: i32) -> (i32, i32) {
    %c0_i32 = arith.constant 0 : i32
    %c0_i32_0 = arith.constant 0 : i32
    return %arg0, %c0_i32 : i32, i32
  }
  func.func @transform_2(%arg0: i32) -> (i32, i32) {
    %c0_i32 = arith.constant 0 : i32
    %c0_i32_0 = arith.constant 0 : i32
    return %arg0, %c0_i32 : i32, i32
  }
  func.func @transform_3(%arg0: i32) -> (i32, i32) {
    %c0_i32 = arith.constant 0 : i32
    %c0_i32_0 = arith.constant 0 : i32
    return %arg0, %c0_i32 : i32, i32
  }
  func.func @transform_4(%arg0: i32) -> (i32, i32) {
    %c0_i32 = arith.constant 0 : i32
    %c0_i32_0 = arith.constant 0 : i32
    return %arg0, %c0_i32 : i32, i32
  }
}

</mosaic_0001>

<sc_bundles>
// kernel: kernel.10.cloned.1.call-start
scs
__scs_entry_jumppad:
0x0: {  	(pc) =	sbr.rel $0x88, $3  }
0x1: {  	(tag) =	ssettag $0x0;
	lr =	simm.s32 $0x1  }
0x2: {  	[smem:$0x3F9A] =	sst lr;
	_ =	strace $0xD0000000  }
0x3: {  	_ = 	snop  }
0x4: {  	_ = 	snop  }
0x5: {  	_ = 	snop  }
0x6: {  	_ = 	snop  }
0x7: {  	_ = 	snop  }
__scs_overlays_trampoline_lowered:
0x8: {  	[smem:$0x3FA9] =	sst s0  }
0x9: {  	[smem:$0x3FAA] =	sst s1  }
0xa: {  	[smem:$0x3FAB] =	sst s2  }
0xb: {  	[smem:$0x3FAC] =	sst s3  }
0xc: {  	[smem:$0x3FAD] =	sst s4  }
0xd: {  	[smem:$0x3FAE] =	sst s5  }
0xe: {  	[smem:$0x3FAF] =	sst s6  }
0xf: {  	[smem:$0x3FB0] =	sst s7  }
0x10: {  	[smem:$0x3FB1] =	sst s8  }
0x11: {  	[smem:$0x3FB2] =	sst s9;
	s0 =	simm.s32 @!p0 $0x0  }
0x12: {  	s1 =	sld [smem:$0x3F98];
	s0 =	simm.s32 @p0 $0x1  }
0x13: {  	[smem:$0x3FB3] =	sst s0;
	s0 =	simm.s32 @!p1 $0x0  }
0x14: {  	s2 =	sld [smem:$0x3F97];
	s0 =	simm.s32 @p1 $0x1  }
0x15: {  	[smem:$0x3FB4] =	sst s0;
	s0 =	simm.s32 @!p2 $0x0  }
0x16: {  	s3 =	sld [smem:$0x3FDB];
	s0 =	simm.s32 @p2 $0x1  }
0x17: {  	s4 =	simm.s32 $0x1BF5;
	[smem:$0x3FB6] =	sst s0  }
0x18: {  	s0 =	sld [smem:$0x3F99];
	_ =	swait.ge [sflag:s4], $0x0  }
0x19: {  	s7 =	sld [smem:$0x3F9A]  }
0x1a: {  	s8 =	sadd.s32 $0xFFFFE003, lr  }
0x1b: {  	s9 =	sadd.s32 $0xFFFFFEF7, lr;
	s5 =	simm.s32 $0xFFFFFFFF;
	p2 =	slt.u32 s8, $0xFFFFF086  }
0x1c: {  	p1 =	slt.u32 s9, $0xF7A;
	s5 =	simm.s32 @!p2 $0x0  }
0x1d: {  	s5 =	simm.s32 @p1 $0x1;
	p0 =	seq.s32 s7, s2  }
0x1e: {  	s7 =	smul.u32 @!p0 $0xF7A, s2;
	p2 =	seq.s32 @!p0 s5, $0x0  }
0x1f: {  	s9 =	smul.u32 $0xF7A, s1;
	s8 =	simm.s32 @!p0 $0x1BF5;
	p2 =	por !p2, p0  }
0x20: {  	[sflag:s8] =	ssyncset.s32 @!p0 $0xFFFFF086;
	s6 =	sadd.s32 @!p0 s3, s7;
	s7 =	simm.s32 @!p0 $0x108  }
0x21: {  	s3 =	sadd.s32 s3, s9;
	s6 =	sadd.s32 @!p0 $0x88, s6;
	s7 =	simm.s32 @p2 $0x1082  }
0x22: {  	[simem:s7], [sflag:s8] =	dma.local @!p0 [hbm:s6], $0xF7A  }
0x23: {  	s9 =	sor.u32 $0xD0000000, s2;
	s6 =	simm.s32 $0x108;
	_ =	swait.ge @!p0 [sflag:s8], $0x0  }
0x24: {  	s3 =	sadd.s32 $0x88, s3;
	s6 =	simm.s32 @!p1 $0x1082;
	[sflag:s4] =	ssyncset.s32 $0xFFFFF086  }
0x25: {  	[simem:s6], [sflag:s4] =	dma.local [hbm:s3], $0xF7A  }
0x26: {  	[smem:$0x3F9A] =	sst s1;
	(tag) =	ssettag s2;
	_ =	strace s9  }
0x27: {  	s1 =	sld [smem:$0x3FAA]  }
0x28: {  	s2 =	sld [smem:$0x3FAB]  }
0x29: {  	s4 =	sld [smem:$0x3FAD]  }
0x2a: {  	p0 =	seq.s32 s5, $0x0;
	s5 =	sld [smem:$0x3FAE]  }
0x2b: {  	s6 =	sld [smem:$0x3FAF]  }
0x2c: {  	s7 =	sld [smem:$0x3FB0]  }
0x2d: {  	s3 =	simm.s32 $0x108;
	s8 =	sld [smem:$0x3FB1]  }
0x2e: {  	s3 =	simm.s32 @!p0 $0x1082;
	s9 =	sld [smem:$0x3FB2]  }
0x2f: {  	lr =	sadd.s32 s0, s3;
	s0 =	sld [smem:$0x3FA9]  }
0x30: {  	s3 =	sld [smem:$0x3FAC]  }
0x31: {  	[smem:$0x3FB5] =	sst s10  }
0x32: {  	s10 =	sld [smem:$0x3FB3];
	_ =	sdelay $0x3  }
0x33: {  	p0 =	seq.s32 s10, $0x1;
	s10 =	sld [smem:$0x3FB5];
	_ =	sdelay $0x3  }
0x34: {  	[smem:$0x3FB5] =	sst s10  }
0x35: {  	s10 =	sld [smem:$0x3FB4];
	_ =	sdelay $0x3  }
0x36: {  	p1 =	seq.s32 s10, $0x1;
	s10 =	sld [smem:$0x3FB5];
	_ =	sdelay $0x3  }
0x37: {  	[smem:$0x3FB5] =	sst s10  }
0x38: {  	s10 =	sld [smem:$0x3FB6]  }
0x39: {  	_ = 	snop;
	(pc) =	sbr.ind lr, $3  }
0x3a: {  	_ = 	snop  }
0x3b: {  	_ = 	snop  }
0x3c: {  	p2 =	seq.s32 s10, $0x1;
	s10 =	sld [smem:$0x3FB5]  }
0x3d: {  	_ =	shalt  }
0x3e: {  	_ =	shalt  }
0x3f: {  	_ =	shalt  }
0x40: {  	_ =	shalt  }
0x41: {  	_ =	shalt  }
0x42: {  	_ =	shalt  }
0x43: {  	_ =	shalt  }
0x44: {  	_ =	shalt  }
0x45: {  	_ =	shalt  }
0x46: {  	_ =	shalt  }
0x47: {  	_ =	shalt  }
0x48: {  	_ =	shalt  }
0x49: {  	_ =	shalt  }
0x4a: {  	_ =	shalt  }
0x4b: {  	_ =	shalt  }
0x4c: {  	_ =	shalt  }
0x4d: {  	_ =	shalt  }
0x4e: {  	_ =	shalt  }
0x4f: {  	_ =	shalt  }
0x50: {  	_ =	shalt  }
0x51: {  	_ =	shalt  }
0x52: {  	_ =	shalt  }
0x53: {  	_ =	shalt  }
0x54: {  	_ =	shalt  }
0x55: {  	_ =	shalt  }
0x56: {  	_ =	shalt  }
0x57: {  	_ =	shalt  }
0x58: {  	_ =	shalt  }
0x59: {  	_ =	shalt  }
0x5a: {  	_ =	shalt  }
0x5b: {  	_ =	shalt  }
0x5c: {  	_ =	shalt  }
0x5d: {  	_ =	shalt  }
0x5e: {  	_ =	shalt  }
0x5f: {  	_ =	shalt  }
0x60: {  	_ =	shalt  }
0x61: {  	_ =	shalt  }
0x62: {  	_ =	shalt  }
0x63: {  	_ =	shalt  }
0x64: {  	_ =	shalt  }
0x65: {  	_ =	shalt  }
0x66: {  	_ =	shalt  }
0x67: {  	_ =	shalt  }
0x68: {  	_ =	shalt  }
0x69: {  	_ =	shalt  }
0x6a: {  	_ =	shalt  }
0x6b: {  	_ =	shalt  }
0x6c: {  	_ =	shalt  }
0x6d: {  	_ =	shalt  }
0x6e: {  	_ =	shalt  }
0x6f: {  	_ =	shalt  }
0x70: {  	_ =	shalt  }
0x71: {  	_ =	shalt  }
0x72: {  	_ =	shalt  }
0x73: {  	_ =	shalt  }
0x74: {  	_ =	shalt  }
0x75: {  	_ =	shalt  }
0x76: {  	_ =	shalt  }
0x77: {  	_ =	shalt  }
0x78: {  	_ =	shalt  }
0x79: {  	_ =	shalt  }
0x7a: {  	_ =	shalt  }
0x7b: {  	_ =	shalt  }
0x7c: {  	_ =	shalt  }
0x7d: {  	_ =	shalt  }
0x7e: {  	_ =	shalt  }
0x7f: {  	_ =	shalt  }
0x80: {  	_ =	shalt  }
0x81: {  	_ =	shalt  }
0x82: {  	_ =	shalt  }
0x83: {  	_ =	shalt  }
0x84: {  	_ =	shalt  }
0x85: {  	_ =	shalt  }
0x86: {  	_ =	shalt  }
0x87: {  	_ =	shalt  }
.Lfunc_end0:
.L_simem_size_0:
called_computation.1_lowered:
.L_overlay_start_0:
0x88: {  	s2 =	sld [smem:$0x3FD9]  }
0x89: {  	s3 =	sld [smem:$0x3FFE];
	_ =	sdelay $0x1  }
0x8a: {  	s1 =	srdreg.scid  }
0x8b: {  	s0 =	sand.u32 $0x1, s1  }
0x8c: {  	s14 =	sshll.u32 s0, $0xA;
	s2 =	sadd.s32 s3, s2  }
0x8d: {  	s2 =	sadd.s32 s2, s14  }
0x8e: {  	[smem:$0x3FC1] =	sst s2  }
0x8f: {  	_ = 	snop  }
0x90: {  	s2 =	sld [smem:$0x3FD0];
	_ =	sdelay $0x2  }
0x91: {  	s15 =	simm.s32 $0xA;
	s4 =	simm.s32 $0x10  }
0x92: {  	[smem:s4], [sflag:s15] =	dma.local [hbm:s2], $0x1  }
0x93: {  	_ =	swait.eq [sflag:s15], $0x1  }
0x94: {  	[sflag:s15] =	ssyncset.done $0x0  }
0x95: {  	[sflag:s15] =	ssyncadd.s32 $0xFFFFFFFF  }
0x96: {  	s16 =	sld [smem:$0x10];
	(tm) =	ssettm $0x1  }
0x97: {  	s17 =	sld [smem:$0x3FFB];
	_ =	sdelay $0x3  }
0x98: {  	_ =	strace s17  }
0x99: {  	s3 =	sld [smem:$0x3FFC];
	_ =	sdelay $0x3  }
0x9a: {  	_ =	strace s3  }
0x9b: {  	s3 =	sld [smem:$0x3FFD];
	_ =	sdelay $0x3  }
0x9c: {  	_ =	strace s3  }
0x9d: {  	_ =	strace $0x8FFFFFFF  }
0x9e: {  	s18 =	sld [smem:$0x3FDB];
	_ =	sdelay $0x1  }
0x9f: {  	s19 =	simm.s32 $_scs_section_size  }
0xa0: {  	s5 =	simm.s32 $_size__tile_overlayer_lowered;
	s6 =	simm.s32 $_tile_overlayer_lowered  }
0xa1: {  	s22 =	simm.s32 $0x1BFF;
	s21 =	sshll.u32 s6, $0x1;
	s3 =	sadd.s32 s19, s18  }
0xa2: {  	s7 =	simm.s32 $0x0;
	s20 =	sshll.u32 s5, $0x1;
	s5 =	sadd.s32 s21, s3  }
0xa3: {  	[timem:s7], [sflag:s22] =	dma.local [hbm:s5], s20  }
0xa4: {  	_ =	swait.ge [sflag:s22], s20  }
0xa5: {  	s4 =	ssub.s32 $0x0, s20;
	[sflag:s22] =	ssyncset.done $0x0  }
0xa6: {  	[sflag:s22] =	ssyncadd.s32 s4;
	_ =	sdelay $0x1  }
0xa7: {  	s23 =	simm.s32 $0x1B8B  }
0xa8: {  	_ =	swait.ge [sflag:s23], $0x1  }
0xa9: {  	[sflag:s23] =	ssyncset.done $0x0  }
0xaa: {  	s25 =	simm.s32 $0x1B8E;
	s24 =	sld [smem:$0x3FFE];
	[sflag:s23] =	ssyncadd.s32 $0xFFFFFFFF  }
0xab: {  	s26 =	simm.s32 $execute0_lowered;
	[smem:$0x3FD2] =	sst s25  }
0xac: {  	s5 =	sshll.u32 s26, $0x1;
	_ =	strace $0x80000049;
	[dreg:$0x1] =	wrdreg $0xFFFFFFFF  }
0xad: {  	s28 =	simm.s32 $_size_execute0_lowered;
	s3 =	sadd.s32 s3, s5;
	[dreg:$0x0] =	wrdreg $0x0  }
0xae: {  	s5 =	sshll.u32 s28, $0x1;
	[dreg:$0x2] =	wrdreg s3  }
0xaf: {  	[dreg:$0x3] =	wrdreg s5  }
0xb0: {  	[dreg:$0x4] =	wrdreg $0xC0  }
0xb1: {  	_ =	task [dreg:s7], $0x5FFFF  }
0xb2: {  	[dreg:$0x1] =	wrdreg $0xFFFFFFFF  }
0xb3: {  	[dreg:$0x0] =	wrdreg $0x60  }
0xb4: {  	[dreg:$0x2] =	wrdreg s24  }
0xb5: {  	[dreg:$0x3] =	wrdreg s16  }
0xb6: {  	[dreg:$0x4] =	wrdreg $0x9  }
0xb7: {  	_ =	task.clear_ibuf [dreg:s7], $0x5FFFF;
	_ =	strace $0x90000049  }
0xb8: {  	s29 =	simm.s32 $0x9;
	_ =	strace $0x8000004B  }
0xb9: {  	_ =	swait.ge [sflag:s29], $0x1  }
0xba: {  	[sflag:s29] =	ssyncadd.s32 $0xFFFFFFFF  }
0xbb: {  	_ =	strace $0x9000004B  }
0xbc: {  	_ =	sfence  }
0xbd: {  	s30 =	sld [smem:$0x0];
	_ =	sdelay $0x2  }
0xbe: {  	s31 =	sshll.u32 s1, $0xD;
	s1 =	sshrl.u32 s1, $0x2  }
0xbf: {  	s3 =	sand.u32 $0x4000, s31;
	s1 =	sadd.s32 s1, s30  }
0xc0: {  	s0 =	sor.u32 s3, s0;
	s1 =	sshll.u32 s1, $0x11  }
0xc1: {  	s0 =	sor.u32 s1, s0  }
0xc2: {  	s0 =	sadd.s32 $0x8F2B, s0  }
0xc3: {  	[sflag:s0] =	ssyncadd.remote.s32 $0x1  }
0xc4: {  	_ =	sfence.sel $0xFFFF  }
0xc5: {  	[dreg:$0x0] =	wrdreg $0xFFFFFFFF;
	(pc) =	sbr.abs _section_cstart, $3  }
0xc6: {  	[dreg:$0x1] =	wrdreg $0xFFFFFFFF  }
0xc7: {  	_ =	task.clear_ibuf [dreg:s7], $0x2FFFF;
	_ =	strace $0x9FFFFFFF  }
0xc8: {  	(tm) =	ssettm $0x7FFFFFFF  }
0xc9: {  	_ =	shalt  }
tec
execute0_lowered:
.L_overlay_start_1:
0x0: {  	(tag) =	ssettag $0x1  }
0x1: {  	s0 =	rddreg [dreg:$0x0]  }
0x2: {  	s1 =	rddreg [dreg:$0x1];
	s3 =	srdreg.scid  }
0x3: {  	s2 =	simm.s32 $0x0;
	s5 =	stileid.u32;
	s14 =	simm.s32 $0x1  }
0x4: {  	s15 =	simm.s32 $0x2;
	s17 =	simm.s32 $0xC000;
	s28 =	simm.s32 $0x3000  }
0x5: {  	s29 =	simm.s32 $0x3800;
	s30 =	simm.s32 $0x3C00;
	s31 =	simm.s32 $0x4400  }
0x6: {  	s11 =	simm.s32 $0x7400;
	s12 =	simm.s32 $0x7800;
	s13 =	simm.s32 $0x8000  }
0x7: {  	s4 =	sand.u32 $0x1, s3;
	[smem:$0x7FF] =	sst s2;
	s18 =	sshll.u32 s5, $0x5  }
0x8: {  	s6 =	sadd.s32 $0x3400, s0;
	s7 =	sadd.s32 $0x3600, s0;
	s3 =	sadd.s32 $0x123A00, s0  }
0x9: {  	s10 =	sadd.s32 $0x3800, s0;
	s19 =	sshll.u32 s4, $0x4;
	s4 =	ssub.s32 $0x2, s4  }
0xa: {  	_ =	strace $0x8000004A;
	s5 =	sor.u32 s19, s18;
	s24 =	sshrl.u32 s4, $0x1  }
0xb: {  	s18 =	simm.s32 $0xC080;
	s19 =	simm.s32 $0x800;
	s8 =	sadd.s32 s6, s5  }
0xc: {  	s9 =	smul.u32 $0x180, s5;
	s20 =	sadd.s32 s7, s5;
	s5 =	sor.u32 $0x8, s5  }
0xd: {  	s25 =	ssub.s32 s4, s24;
	s4 =	sadd.s32 $0x123B00, s0;
	[dreg:$0x3] =	wrdreg s8  }
0xe: {  	s24 =	simm.s32 $0x8400;
	[dreg:$0x4] =	wrdreg s20;
	s6 =	sadd.s32 s6, s5  }
0xf: {  	s23 =	smul.u32 $0x180, s5;
	s5 =	sadd.s32 s7, s5;
	s7 =	simm.s32 $0x3  }
0x10: {  	s20 =	simm.s32 $0xC00;
	s8 =	simm.s32 $0x5C00;
	[dreg:$0x7] =	wrdreg s6  }
0x11: {  	s21 =	sadd.s32 s1, s9;
	s22 =	sadd.s32 s10, s9;
	[dreg:$0x8] =	wrdreg s5  }
0x12: {  	s5 =	smax.u32 s25, $0x1;
	s25 =	simm.s32 $0x2400;
	[dreg:$0x5] =	wrdreg s21  }
0x13: {  	s6 =	simm.s32 $0x5400;
	s9 =	simm.s32 $0x6800;
	[dreg:$0x6] =	wrdreg s22  }
0x14: {  	v2 =	vlaneseq.u32;
	s1 =	sadd.s32 s1, s23;
	s26 =	sadd.s32 s10, s23;
	s21 =	simm.s32 $0x1400  }
0x15: {  	vm0 =	vmmov $0xffff;
	vm1 =	vmmov $0xff;
	v1 =	vshrl.u32 v2, $0x3;
	s22 =	simm.s32 $0x1800;
	s23 =	simm.s32 $0x2000;
	[dreg:$0x9] =	wrdreg s1  }
0x16: {  	v0 =	vand.u32 $0x7, v2;
	v2 =	vor.u32 $0x8, v2;
	v1 =	vmul.u32 $0x8, v1;
	s10 =	simm.s32 $0x6C00;
	[dreg:$0xa] =	wrdreg s26;
	s26 =	simm.s32 $0x2C00  }
.LBB2_1:
0x17: {  	s16 =	rddreg [dreg:$0x3]  }
0x18: {  	[tilespmem:s17], [sflag:$0x3] =	stream.linear.gather [hbm4b:s16+s2], $0x40, $0x38;
	[tilespmem:$0xC100] =	vst v63  }
0x19: {  	_ =	swait.ge [sflag:s7], $0x40  }
0x1a: {  	[sflag:s7] =	ssyncset.done $0x0  }
0x1b: {  	s1 =	rddreg [dreg:$0x4];
	[sflag:s7] =	ssyncadd.s32 $0xFFFFFFC0  }
0x1c: {  	[tilespmem:s18], [sflag:$0x3] =	stream.linear.gather [hbm4b:s1+s2], $0x40, $0x38;
	[tilespmem:$0xC100] =	vst v63  }
0x1d: {  	_ =	swait.ge [sflag:s7], $0x40  }
0x1e: {  	[sflag:s7] =	ssyncset.done $0x0  }
0x1f: {  	[sflag:s7] =	ssyncadd.s32 $0xFFFFFFC0  }
0x20: {  	v3 =	vld [tilespmem:$0xC000];
	_ =	sdelay $0x4  }
0x21: {  	v4 =	vshrl.u32 v3, $0x3  }
0x22: {  	v4 =	vmul.u32 $0x18, v4  }
0x23: {  	v3 =	vand.u32 $0x7, v3  }
0x24: {  	v3 =	vor.u32 v3, v4  }
0x25: {  	v4 =	vperm.xlane v3, v0;
	_ =	sdelay $0x1  }
0x26: {  	v4 =	vadd.s32 v1, v4;
	_ =	sdelay $0x1  }
0x27: {  	v3 =	vperm.xlane v3, v2;
	_ =	sdelay $0x1  }
0x28: {  	v3 =	vadd.s32 v1, v3  }
0x29: {  	[tilespmem:s2], [sflag:$0x1] =	stream.indirect_vreg.gather [hbm4b:s3+s2], $0x80, v4, vm0, $0xb8;
	[tilespmem:$0xC100] =	vst v63  }
0x2a: {  	_ = 	snop  }
0x2b: {  	[tilespmem:s19], [sflag:$0x1] =	stream.indirect_vreg.gather [hbm4b:s4+s2], $0x80, v4, vm1, $0xb8;
	[tilespmem:$0xC100] =	vst v63  }
0x2c: {  	_ = 	snop  }
0x2d: {  	[tilespmem:s20], [sflag:$0x1] =	stream.indirect_vreg.gather [hbm4b:s3+s2], $0x80, v3, vm0, $0xb8;
	[tilespmem:$0xC100] =	vst v63  }
0x2e: {  	_ = 	snop  }
0x2f: {  	[tilespmem:s21], [sflag:$0x1] =	stream.indirect_vreg.gather [hbm4b:s4+s2], $0x80, v3, vm1, $0xb8;
	[tilespmem:$0xC100] =	vst v63  }
0x30: {  	v3 =	vld [tilespmem:$0xC010];
	_ =	sdelay $0x4  }
0x31: {  	v49 =	vshrl.u32 v3, $0x3  }
0x32: {  	v4 =	vmul.u32 $0x18, v49  }
0x33: {  	v3 =	vand.u32 $0x7, v3  }
0x34: {  	v3 =	vor.u32 v3, v4  }
0x35: {  	v4 =	vperm.xlane v3, v0;
	_ =	sdelay $0x1  }
0x36: {  	v4 =	vadd.s32 v1, v4;
	_ =	sdelay $0x1  }
0x37: {  	v3 =	vperm.xlane v3, v2;
	_ =	sdelay $0x1  }
0x38: {  	v3 =	vadd.s32 v1, v3  }
0x39: {  	[tilespmem:s22], [sflag:$0x1] =	stream.indirect_vreg.gather [hbm4b:s3+s2], $0x80, v4, vm0, $0xb8;
	[tilespmem:$0xC100] =	vst v63  }
0x3a: {  	_ = 	snop  }
0x3b: {  	[tilespmem:s23], [sflag:$0x1] =	stream.indirect_vreg.gather [hbm4b:s4+s2], $0x80, v4, vm1, $0xb8;
	[tilespmem:$0xC100] =	vst v63  }
0x3c: {  	_ = 	snop  }
0x3d: {  	[tilespmem:s25], [sflag:$0x1] =	stream.indirect_vreg.gather [hbm4b:s3+s2], $0x80, v3, vm0, $0xb8;
	[tilespmem:$0xC100] =	vst v63  }
0x3e: {  	_ = 	snop  }
0x3f: {  	[tilespmem:s26], [sflag:$0x1] =	stream.indirect_vreg.gather [hbm4b:s4+s2], $0x80, v3, vm1, $0xb8;
	[tilespmem:$0xC100] =	vst v63  }
0x40: {  	v3 =	vld [tilespmem:$0xC020];
	_ =	sdelay $0x4  }
0x41: {  	v50 =	vshrl.u32 v3, $0x3  }
0x42: {  	v4 =	vmul.u32 $0x18, v50  }
0x43: {  	v3 =	vand.u32 $0x7, v3  }
0x44: {  	v3 =	vor.u32 v3, v4  }
0x45: {  	v4 =	vperm.xlane v3, v0;
	_ =	sdelay $0x1  }
0x46: {  	v4 =	vadd.s32 v1, v4;
	_ =	sdelay $0x1  }
0x47: {  	v3 =	vperm.xlane v3, v2;
	_ =	sdelay $0x1  }
0x48: {  	v3 =	vadd.s32 v1, v3  }
0x49: {  	[tilespmem:s28], [sflag:$0x1] =	stream.indirect_vreg.gather [hbm4b:s3+s2], $0x80, v4, vm0, $0xb8;
	[tilespmem:$0xC100] =	vst v63  }
0x4a: {  	_ = 	snop  }
0x4b: {  	[tilespmem:s29], [sflag:$0x1] =	stream.indirect_vreg.gather [hbm4b:s4+s2], $0x80, v4, vm1, $0xb8;
	[tilespmem:$0xC100] =	vst v63  }
0x4c: {  	_ = 	snop  }
0x4d: {  	[tilespmem:s30], [sflag:$0x1] =	stream.indirect_vreg.gather [hbm4b:s3+s2], $0x80, v3, vm0, $0xb8;
	[tilespmem:$0xC100] =	vst v63  }
0x4e: {  	_ = 	snop  }
0x4f: {  	[tilespmem:s31], [sflag:$0x1] =	stream.indirect_vreg.gather [hbm4b:s4+s2], $0x80, v3, vm1, $0xb8;
	[tilespmem:$0xC100] =	vst v63  }
0x50: {  	v3 =	vld [tilespmem:$0xC030];
	_ =	sdelay $0x4  }
0x51: {  	v51 =	vshrl.u32 v3, $0x3  }
0x52: {  	v4 =	vmul.u32 $0x18, v51  }
0x53: {  	v3 =	vand.u32 $0x7, v3  }
0x54: {  	v3 =	vor.u32 v3, v4  }
0x55: {  	v4 =	vperm.xlane v3, v0;
	_ =	sdelay $0x1  }
0x56: {  	v4 =	vadd.s32 v1, v4;
	_ =	sdelay $0x1  }
0x57: {  	v3 =	vperm.xlane v3, v2;
	_ =	sdelay $0x1  }
0x58: {  	s0 =	simm.s32 $0x4800;
	v3 =	vadd.s32 v1, v3  }
0x59: {  	[tilespmem:s0], [sflag:$0x1] =	stream.indirect_vreg.gather [hbm4b:s3+s2], $0x80, v4, vm0, $0xb8;
	[tilespmem:$0xC100] =	vst v63  }
0x5a: {  	s1 =	simm.s32 $0x5000  }
0x5b: {  	[tilespmem:s1], [sflag:$0x1] =	stream.indirect_vreg.gather [hbm4b:s4+s2], $0x80, v4, vm1, $0xb8;
	[tilespmem:$0xC100] =	vst v63  }
0x5c: {  	_ = 	snop  }
0x5d: {  	[tilespmem:s6], [sflag:$0x1] =	stream.indirect_vreg.gather [hbm4b:s3+s2], $0x80, v3, vm0, $0xb8;
	[tilespmem:$0xC100] =	vst v63  }
0x5e: {  	_ = 	snop  }
0x5f: {  	[tilespmem:s8], [sflag:$0x1] =	stream.indirect_vreg.gather [hbm4b:s4+s2], $0x80, v3, vm1, $0xb8;
	[tilespmem:$0xC100] =	vst v63  }
0x60: {  	v3 =	vld [tilespmem:$0xC080];
	_ =	sdelay $0x4  }
0x61: {  	v52 =	vshrl.u32 v3, $0x3  }
0x62: {  	v4 =	vmul.u32 $0x18, v52  }
0x63: {  	v3 =	vand.u32 $0x7, v3  }
0x64: {  	v3 =	vor.u32 v3, v4  }
0x65: {  	v4 =	vperm.xlane v3, v0;
	_ =	sdelay $0x1  }
0x66: {  	v4 =	vadd.s32 v1, v4;
	_ =	sdelay $0x1  }
0x67: {  	v3 =	vperm.xlane v3, v2;
	_ =	sdelay $0x1  }
0x68: {  	s0 =	simm.s32 $0x6000;
	v3 =	vadd.s32 v1, v3  }
0x69: {  	[tilespmem:s0], [sflag:$0x2] =	stream.indirect_vreg.gather [hbm4b:s3+s2], $0x80, v4, vm0, $0xb8;
	[tilespmem:$0xC100] =	vst v63  }
0x6a: {  	_ = 	snop  }
0x6b: {  	[tilespmem:s9], [sflag:$0x2] =	stream.indirect_vreg.gather [hbm4b:s4+s2], $0x80, v4, vm1, $0xb8;
	[tilespmem:$0xC100] =	vst v63  }
0x6c: {  	_ = 	snop  }
0x6d: {  	[tilespmem:s10], [sflag:$0x2] =	stream.indirect_vreg.gather [hbm4b:s3+s2], $0x80, v3, vm0, $0xb8;
	[tilespmem:$0xC100] =	vst v63  }
0x6e: {  	_ = 	snop  }
0x6f: {  	[tilespmem:s11], [sflag:$0x2] =	stream.indirect_vreg.gather [hbm4b:s4+s2], $0x80, v3, vm1, $0xb8;
	[tilespmem:$0xC100] =	vst v63  }
0x70: {  	v3 =	vld [tilespmem:$0xC090];
	_ =	sdelay $0x4  }
0x71: {  	v53 =	vshrl.u32 v3, $0x3  }
0x72: {  	v4 =	vmul.u32 $0x18, v53  }
0x73: {  	v3 =	vand.u32 $0x7, v3  }
0x74: {  	v3 =	vor.u32 v3, v4  }
0x75: {  	v4 =	vperm.xlane v3, v0;
	_ =	sdelay $0x1  }
0x76: {  	v4 =	vadd.s32 v1, v4;
	_ =	sdelay $0x1  }
0x77: {  	v3 =	vperm.xlane v3, v2;
	_ =	sdelay $0x1  }
0x78: {  	v3 =	vadd.s32 v1, v3  }
0x79: {  	[tilespmem:s12], [sflag:$0x2] =	stream.indirect_vreg.gather [hbm4b:s3+s2], $0x80, v4, vm0, $0xb8;
	[tilespmem:$0xC100] =	vst v63  }
0x7a: {  	_ = 	snop  }
0x7b: {  	[tilespmem:s13], [sflag:$0x2] =	stream.indirect_vreg.gather [hbm4b:s4+s2], $0x80, v4, vm1, $0xb8;
	[tilespmem:$0xC100] =	vst v63  }
0x7c: {  	_ = 	snop  }
0x7d: {  	[tilespmem:s24], [sflag:$0x2] =	stream.indirect_vreg.gather [hbm4b:s3+s2], $0x80, v3, vm0, $0xb8;
	[tilespmem:$0xC100] =	vst v63  }
0x7e: {  	s16 =	simm.s32 $0x8C00  }
0x7f: {  	[tilespmem:s16], [sflag:$0x2] =	stream.indirect_vreg.gather [hbm4b:s4+s2], $0x80, v3, vm1, $0xb8;
	[tilespmem:$0xC100] =	vst v63  }
0x80: {  	v3 =	vld [tilespmem:$0xC0A0];
	_ =	sdelay $0x4  }
0x81: {  	v54 =	vshrl.u32 v3, $0x3  }
0x82: {  	v4 =	vmul.u32 $0x18, v54  }
0x83: {  	v3 =	vand.u32 $0x7, v3  }
0x84: {  	v3 =	vor.u32 v3, v4  }
0x85: {  	v4 =	vperm.xlane v3, v0;
	_ =	sdelay $0x1  }
0x86: {  	v4 =	vadd.s32 v1, v4;
	_ =	sdelay $0x1  }
0x87: {  	v3 =	vperm.xlane v3, v2;
	_ =	sdelay $0x1  }
0x88: {  	s16 =	simm.s32 $0x9000;
	v3 =	vadd.s32 v1, v3  }
0x89: {  	[tilespmem:s16], [sflag:$0x2] =	stream.indirect_vreg.gather [hbm4b:s3+s2], $0x80, v4, vm0, $0xb8;
	[tilespmem:$0xC100] =	vst v63  }
0x8a: {  	s16 =	simm.s32 $0x9800  }
0x8b: {  	[tilespmem:s16], [sflag:$0x2] =	stream.indirect_vreg.gather [hbm4b:s4+s2], $0x80, v4, vm1, $0xb8;
	[tilespmem:$0xC100] =	vst v63  }
0x8c: {  	s16 =	simm.s32 $0x9C00  }
0x8d: {  	[tilespmem:s16], [sflag:$0x2] =	stream.indirect_vreg.gather [hbm4b:s3+s2], $0x80, v3, vm0, $0xb8;
	[tilespmem:$0xC100] =	vst v63  }
0x8e: {  	s16 =	simm.s32 $0xA400  }
0x8f: {  	[tilespmem:s16], [sflag:$0x2] =	stream.indirect_vreg.gather [hbm4b:s4+s2], $0x80, v3, vm1, $0xb8;
	[tilespmem:$0xC100] =	vst v63  }
0x90: {  	v3 =	vld [tilespmem:$0xC0B0];
	_ =	sdelay $0x4  }
0x91: {  	v55 =	vshrl.u32 v3, $0x3  }
0x92: {  	v4 =	vmul.u32 $0x18, v55  }
0x93: {  	v3 =	vand.u32 $0x7, v3  }
0x94: {  	v3 =	vor.u32 v3, v4  }
0x95: {  	v4 =	vperm.xlane v3, v0;
	_ =	sdelay $0x1  }
0x96: {  	v4 =	vadd.s32 v1, v4;
	_ =	sdelay $0x1  }
0x97: {  	v3 =	vperm.xlane v3, v2;
	_ =	sdelay $0x1  }
0x98: {  	s16 =	simm.s32 $0xA800;
	v3 =	vadd.s32 v1, v3  }
0x99: {  	[tilespmem:s16], [sflag:$0x2] =	stream.indirect_vreg.gather [hbm4b:s3+s2], $0x80, v4, vm0, $0xb8;
	[tilespmem:$0xC100] =	vst v63  }
0x9a: {  	s16 =	simm.s32 $0xB000  }
0x9b: {  	[tilespmem:s16], [sflag:$0x2] =	stream.indirect_vreg.gather [hbm4b:s4+s2], $0x80, v4, vm1, $0xb8;
	[tilespmem:$0xC100] =	vst v63  }
0x9c: {  	s16 =	simm.s32 $0xB400  }
0x9d: {  	[tilespmem:s16], [sflag:$0x2] =	stream.indirect_vreg.gather [hbm4b:s3+s2], $0x80, v3, vm0, $0xb8;
	[tilespmem:$0xC100] =	vst v63  }
0x9e: {  	s16 =	simm.s32 $0xBC00  }
0x9f: {  	[tilespmem:s16], [sflag:$0x2] =	stream.indirect_vreg.gather [hbm4b:s4+s2], $0x80, v3, vm1, $0xb8;
	[tilespmem:$0xC100] =	vst v63  }
0xa0: {  	_ =	swait.ge [sflag:s14], $0x6000  }
0xa1: {  	[sflag:s14] =	ssyncset.done $0x0  }
0xa2: {  	[sflag:s14] =	ssyncadd.s32 $0xFFFFA000  }
0xa3: {  	_ =	swait.ge [sflag:s15], $0x6000  }
0xa4: {  	[sflag:s15] =	ssyncset.done $0x0  }
0xa5: {  	s16 =	rddreg [dreg:$0x5];
	[sflag:s15] =	ssyncadd.s32 $0xFFFFA000  }
0xa6: {  	[hbm4b:s16+s2] =	stream.linear.scatter [tilespmem:s2], [sflag:$0x3], $0x6000, $0x38;
	[tilespmem:$0xC100] =	vst v63  }
0xa7: {  	_ =	swait.ge [sflag:s7], $0x6000  }
0xa8: {  	[sflag:s7] =	ssyncset.done $0x0  }
0xa9: {  	s16 =	rddreg [dreg:$0x6];
	[sflag:s7] =	ssyncadd.s32 $0xFFFFA000  }
0xaa: {  	[hbm4b:s16+s2] =	stream.linear.scatter [tilespmem:s0], [sflag:$0x3], $0x6000, $0x38;
	[tilespmem:$0xC100] =	vst v63  }
0xab: {  	_ =	swait.ge [sflag:s7], $0x6000  }
0xac: {  	[sflag:s7] =	ssyncset.done $0x0  }
0xad: {  	s16 =	rddreg [dreg:$0x7];
	[sflag:s7] =	ssyncadd.s32 $0xFFFFA000  }
0xae: {  	[tilespmem:s17], [sflag:$0x3] =	stream.linear.gather [hbm4b:s16+s2], $0x40, $0x38;
	[tilespmem:$0xC100] =	vst v63  }
0xaf: {  	_ =	swait.ge [sflag:s7], $0x40  }
0xb0: {  	[sflag:s7] =	ssyncset.done $0x0  }
0xb1: {  	s16 =	rddreg [dreg:$0x8];
	[sflag:s7] =	ssyncadd.s32 $0xFFFFFFC0  }
0xb2: {  	[tilespmem:s18], [sflag:$0x3] =	stream.linear.gather [hbm4b:s16+s2], $0x40, $0x38;
	[tilespmem:$0xC100] =	vst v63  }
0xb3: {  	_ =	swait.ge [sflag:s7], $0x40  }
0xb4: {  	[sflag:s7] =	ssyncset.done $0x0  }
0xb5: {  	[sflag:s7] =	ssyncadd.s32 $0xFFFFFFC0  }
0xb6: {  	v3 =	vld [tilespmem:$0xC000];
	_ =	sdelay $0x4  }
0xb7: {  	v56 =	vshrl.u32 v3, $0x3  }
0xb8: {  	v4 =	vmul.u32 $0x18, v56  }
0xb9: {  	v3 =	vand.u32 $0x7, v3  }
0xba: {  	v3 =	vor.u32 v3, v4  }
0xbb: {  	v4 =	vperm.xlane v3, v0;
	_ =	sdelay $0x1  }
0xbc: {  	v4 =	vadd.s32 v1, v4;
	_ =	sdelay $0x1  }
0xbd: {  	v3 =	vperm.xlane v3, v2;
	_ =	sdelay $0x1  }
0xbe: {  	v3 =	vadd.s32 v1, v3  }
0xbf: {  	[tilespmem:s2], [sflag:$0x1] =	stream.indirect_vreg.gather [hbm4b:s3+s2], $0x80, v4, vm0, $0xb8;
	[tilespmem:$0xC100] =	vst v63  }
0xc0: {  	_ = 	snop  }
0xc1: {  	[tilespmem:s19], [sflag:$0x1] =	stream.indirect_vreg.gather [hbm4b:s4+s2], $0x80, v4, vm1, $0xb8;
	[tilespmem:$0xC100] =	vst v63  }
0xc2: {  	_ = 	snop  }
0xc3: {  	[tilespmem:s20], [sflag:$0x1] =	stream.indirect_vreg.gather [hbm4b:s3+s2], $0x80, v3, vm0, $0xb8;
	[tilespmem:$0xC100] =	vst v63  }
0xc4: {  	_ = 	snop  }
0xc5: {  	[tilespmem:s21], [sflag:$0x1] =	stream.indirect_vreg.gather [hbm4b:s4+s2], $0x80, v3, vm1, $0xb8;
	[tilespmem:$0xC100] =	vst v63  }
0xc6: {  	v3 =	vld [tilespmem:$0xC010];
	_ =	sdelay $0x4  }
0xc7: {  	v57 =	vshrl.u32 v3, $0x3  }
0xc8: {  	v4 =	vmul.u32 $0x18, v57  }
0xc9: {  	v3 =	vand.u32 $0x7, v3  }
0xca: {  	v3 =	vor.u32 v3, v4  }
0xcb: {  	v4 =	vperm.xlane v3, v0;
	_ =	sdelay $0x1  }
0xcc: {  	v4 =	vadd.s32 v1, v4;
	_ =	sdelay $0x1  }
0xcd: {  	v3 =	vperm.xlane v3, v2;
	_ =	sdelay $0x1  }
0xce: {  	v3 =	vadd.s32 v1, v3  }
0xcf: {  	[tilespmem:s22], [sflag:$0x1] =	stream.indirect_vreg.gather [hbm4b:s3+s2], $0x80, v4, vm0, $0xb8;
	[tilespmem:$0xC100] =	vst v63  }
0xd0: {  	_ = 	snop  }
0xd1: {  	[tilespmem:s23], [sflag:$0x1] =	stream.indirect_vreg.gather [hbm4b:s4+s2], $0x80, v4, vm1, $0xb8;
	[tilespmem:$0xC100] =	vst v63  }
0xd2: {  	_ = 	snop  }
0xd3: {  	[tilespmem:s25], [sflag:$0x1] =	stream.indirect_vreg.gather [hbm4b:s3+s2], $0x80, v3, vm0, $0xb8;
	[tilespmem:$0xC100] =	vst v63  }
0xd4: {  	_ = 	snop  }
0xd5: {  	[tilespmem:s26], [sflag:$0x1] =	stream.indirect_vreg.gather [hbm4b:s4+s2], $0x80, v3, vm1, $0xb8;
	[tilespmem:$0xC100] =	vst v63  }
0xd6: {  	v3 =	vld [tilespmem:$0xC020];
	_ =	sdelay $0x4  }
0xd7: {  	v58 =	vshrl.u32 v3, $0x3  }
0xd8: {  	v4 =	vmul.u32 $0x18, v58  }
0xd9: {  	v3 =	vand.u32 $0x7, v3  }
0xda: {  	v3 =	vor.u32 v3, v4  }
0xdb: {  	v4 =	vperm.xlane v3, v0;
	_ =	sdelay $0x1  }
0xdc: {  	v4 =	vadd.s32 v1, v4;
	_ =	sdelay $0x1  }
0xdd: {  	v3 =	vperm.xlane v3, v2;
	_ =	sdelay $0x1  }
0xde: {  	v3 =	vadd.s32 v1, v3  }
0xdf: {  	[tilespmem:s28], [sflag:$0x1] =	stream.indirect_vreg.gather [hbm4b:s3+s2], $0x80, v4, vm0, $0xb8;
	[tilespmem:$0xC100] =	vst v63  }
0xe0: {  	_ = 	snop  }
0xe1: {  	[tilespmem:s29], [sflag:$0x1] =	stream.indirect_vreg.gather [hbm4b:s4+s2], $0x80, v4, vm1, $0xb8;
	[tilespmem:$0xC100] =	vst v63  }
0xe2: {  	_ = 	snop  }
0xe3: {  	[tilespmem:s30], [sflag:$0x1] =	stream.indirect_vreg.gather [hbm4b:s3+s2], $0x80, v3, vm0, $0xb8;
	[tilespmem:$0xC100] =	vst v63  }
0xe4: {  	_ = 	snop  }
0xe5: {  	[tilespmem:s31], [sflag:$0x1] =	stream.indirect_vreg.gather [hbm4b:s4+s2], $0x80, v3, vm1, $0xb8;
	[tilespmem:$0xC100] =	vst v63  }
0xe6: {  	v3 =	vld [tilespmem:$0xC030];
	_ =	sdelay $0x4  }
0xe7: {  	v59 =	vshrl.u32 v3, $0x3  }
0xe8: {  	v4 =	vmul.u32 $0x18, v59  }
0xe9: {  	v3 =	vand.u32 $0x7, v3  }
0xea: {  	v3 =	vor.u32 v3, v4  }
0xeb: {  	v4 =	vperm.xlane v3, v0;
	_ =	sdelay $0x1  }
0xec: {  	v4 =	vadd.s32 v1, v4;
	_ =	sdelay $0x1  }
0xed: {  	v3 =	vperm.xlane v3, v2;
	_ =	sdelay $0x1  }
0xee: {  	s16 =	simm.s32 $0x4800;
	v3 =	vadd.s32 v1, v3  }
0xef: {  	[tilespmem:s16], [sflag:$0x1] =	stream.indirect_vreg.gather [hbm4b:s3+s2], $0x80, v4, vm0, $0xb8;
	[tilespmem:$0xC100] =	vst v63  }
0xf0: {  	_ = 	snop  }
0xf1: {  	[tilespmem:s1], [sflag:$0x1] =	stream.indirect_vreg.gather [hbm4b:s4+s2], $0x80, v4, vm1, $0xb8;
	[tilespmem:$0xC100] =	vst v63  }
0xf2: {  	_ = 	snop  }
0xf3: {  	[tilespmem:s6], [sflag:$0x1] =	stream.indirect_vreg.gather [hbm4b:s3+s2], $0x80, v3, vm0, $0xb8;
	[tilespmem:$0xC100] =	vst v63  }
0xf4: {  	_ = 	snop  }
0xf5: {  	[tilespmem:s8], [sflag:$0x1] =	stream.indirect_vreg.gather [hbm4b:s4+s2], $0x80, v3, vm1, $0xb8;
	[tilespmem:$0xC100] =	vst v63  }
0xf6: {  	v3 =	vld [tilespmem:$0xC080];
	_ =	sdelay $0x4  }
0xf7: {  	v60 =	vshrl.u32 v3, $0x3  }
0xf8: {  	v4 =	vmul.u32 $0x18, v60  }
0xf9: {  	v3 =	vand.u32 $0x7, v3  }
0xfa: {  	v3 =	vor.u32 v3, v4  }
0xfb: {  	v4 =	vperm.xlane v3, v0;
	_ =	sdelay $0x1  }
0xfc: {  	v4 =	vadd.s32 v1, v4;
	_ =	sdelay $0x1  }
0xfd: {  	v3 =	vperm.xlane v3, v2;
	_ =	sdelay $0x1  }
0xfe: {  	v3 =	vadd.s32 v1, v3  }
0xff: {  	[tilespmem:s0], [sflag:$0x2] =	stream.indirect_vreg.gather [hbm4b:s3+s2], $0x80, v4, vm0, $0xb8;
	[tilespmem:$0xC100] =	vst v63  }
0x100: {  	_ = 	snop  }
0x101: {  	[tilespmem:s9], [sflag:$0x2] =	stream.indirect_vreg.gather [hbm4b:s4+s2], $0x80, v4, vm1, $0xb8;
	[tilespmem:$0xC100] =	vst v63  }
0x102: {  	_ = 	snop  }
0x103: {  	[tilespmem:s10], [sflag:$0x2] =	stream.indirect_vreg.gather [hbm4b:s3+s2], $0x80, v3, vm0, $0xb8;
	[tilespmem:$0xC100] =	vst v63  }
0x104: {  	_ = 	snop  }
0x105: {  	[tilespmem:s11], [sflag:$0x2] =	stream.indirect_vreg.gather [hbm4b:s4+s2], $0x80, v3, vm1, $0xb8;
	[tilespmem:$0xC100] =	vst v63  }
0x106: {  	v3 =	vld [tilespmem:$0xC090];
	_ =	sdelay $0x4  }
0x107: {  	v61 =	vshrl.u32 v3, $0x3  }
0x108: {  	v4 =	vmul.u32 $0x18, v61  }
0x109: {  	v3 =	vand.u32 $0x7, v3  }
0x10a: {  	v3 =	vor.u32 v3, v4  }
0x10b: {  	v4 =	vperm.xlane v3, v0;
	_ =	sdelay $0x1  }
0x10c: {  	v4 =	vadd.s32 v1, v4;
	_ =	sdelay $0x1  }
0x10d: {  	v3 =	vperm.xlane v3, v2;
	_ =	sdelay $0x1  }
0x10e: {  	v3 =	vadd.s32 v1, v3  }
0x10f: {  	[tilespmem:s12], [sflag:$0x2] =	stream.indirect_vreg.gather [hbm4b:s3+s2], $0x80, v4, vm0, $0xb8;
	[tilespmem:$0xC100] =	vst v63  }
0x110: {  	_ = 	snop  }
0x111: {  	[tilespmem:s13], [sflag:$0x2] =	stream.indirect_vreg.gather [hbm4b:s4+s2], $0x80, v4, vm1, $0xb8;
	[tilespmem:$0xC100] =	vst v63  }
0x112: {  	_ = 	snop  }
0x113: {  	[tilespmem:s24], [sflag:$0x2] =	stream.indirect_vreg.gather [hbm4b:s3+s2], $0x80, v3, vm0, $0xb8;
	[tilespmem:$0xC100] =	vst v63  }
0x114: {  	s16 =	simm.s32 $0x8C00  }
0x115: {  	[tilespmem:s16], [sflag:$0x2] =	stream.indirect_vreg.gather [hbm4b:s4+s2], $0x80, v3, vm1, $0xb8;
	[tilespmem:$0xC100] =	vst v63  }
0x116: {  	v3 =	vld [tilespmem:$0xC0A0];
	_ =	sdelay $0x4  }
0x117: {  	v62 =	vshrl.u32 v3, $0x3  }
0x118: {  	v4 =	vmul.u32 $0x18, v62  }
0x119: {  	v3 =	vand.u32 $0x7, v3  }
0x11a: {  	v3 =	vor.u32 v3, v4  }
0x11b: {  	v4 =	vperm.xlane v3, v0;
	_ =	sdelay $0x1  }
0x11c: {  	v4 =	vadd.s32 v1, v4;
	_ =	sdelay $0x1  }
0x11d: {  	v3 =	vperm.xlane v3, v2;
	_ =	sdelay $0x1  }
0x11e: {  	s16 =	simm.s32 $0x9000;
	v3 =	vadd.s32 v1, v3  }
0x11f: {  	[tilespmem:s16], [sflag:$0x2] =	stream.indirect_vreg.gather [hbm4b:s3+s2], $0x80, v4, vm0, $0xb8;
	[tilespmem:$0xC100] =	vst v63  }
0x120: {  	s16 =	simm.s32 $0x9800  }
0x121: {  	[tilespmem:s16], [sflag:$0x2] =	stream.indirect_vreg.gather [hbm4b:s4+s2], $0x80, v4, vm1, $0xb8;
	[tilespmem:$0xC100] =	vst v63  }
0x122: {  	s16 =	simm.s32 $0x9C00  }
0x123: {  	[tilespmem:s16], [sflag:$0x2] =	stream.indirect_vreg.gather [hbm4b:s3+s2], $0x80, v3, vm0, $0xb8;
	[tilespmem:$0xC100] =	vst v63  }
0x124: {  	s16 =	simm.s32 $0xA400  }
0x125: {  	[tilespmem:s16], [sflag:$0x2] =	stream.indirect_vreg.gather [hbm4b:s4+s2], $0x80, v3, vm1, $0xb8;
	[tilespmem:$0xC100] =	vst v63  }
0x126: {  	v3 =	vld [tilespmem:$0xC0B0];
	_ =	sdelay $0x4  }
0x127: {  	v63 =	vshrl.u32 v3, $0x3  }
0x128: {  	v4 =	vmul.u32 $0x18, v63  }
0x129: {  	v3 =	vand.u32 $0x7, v3  }
0x12a: {  	v3 =	vor.u32 v3, v4  }
0x12b: {  	v4 =	vperm.xlane v3, v0;
	_ =	sdelay $0x1  }
0x12c: {  	v4 =	vadd.s32 v1, v4;
	_ =	sdelay $0x1  }
0x12d: {  	v3 =	vperm.xlane v3, v2;
	_ =	sdelay $0x1  }
0x12e: {  	s16 =	simm.s32 $0xA800;
	v3 =	vadd.s32 v1, v3  }
0x12f: {  	[tilespmem:s16], [sflag:$0x2] =	stream.indirect_vreg.gather [hbm4b:s3+s2], $0x80, v4, vm0, $0xb8;
	[tilespmem:$0xC100] =	vst v63  }
0x130: {  	s16 =	simm.s32 $0xB000  }
0x131: {  	[tilespmem:s16], [sflag:$0x2] =	stream.indirect_vreg.gather [hbm4b:s4+s2], $0x80, v4, vm1, $0xb8;
	[tilespmem:$0xC100] =	vst v63  }
0x132: {  	s16 =	simm.s32 $0xB400  }
0x133: {  	[tilespmem:s16], [sflag:$0x2] =	stream.indirect_vreg.gather [hbm4b:s3+s2], $0x80, v3, vm0, $0xb8;
	[tilespmem:$0xC100] =	vst v63  }
0x134: {  	s16 =	simm.s32 $0xBC00  }
0x135: {  	[tilespmem:s16], [sflag:$0x2] =	stream.indirect_vreg.gather [hbm4b:s4+s2], $0x80, v3, vm1, $0xb8;
	[tilespmem:$0xC100] =	vst v63  }
0x136: {  	_ =	swait.ge [sflag:s14], $0x6000  }
0x137: {  	[sflag:s14] =	ssyncset.done $0x0  }
0x138: {  	[sflag:s14] =	ssyncadd.s32 $0xFFFFA000  }
0x139: {  	_ =	swait.ge [sflag:s15], $0x6000  }
0x13a: {  	[sflag:s15] =	ssyncset.done $0x0  }
0x13b: {  	s1 =	rddreg [dreg:$0x9];
	[sflag:s15] =	ssyncadd.s32 $0xFFFFA000  }
0x13c: {  	[hbm4b:s1+s2] =	stream.linear.scatter [tilespmem:s2], [sflag:$0x3], $0x6000, $0x38;
	[tilespmem:$0xC100] =	vst v63  }
0x13d: {  	_ =	swait.ge [sflag:s7], $0x6000  }
0x13e: {  	p0 =	sne.s32 s5, $0x1;
	[sflag:s7] =	ssyncset.done $0x0  }
.Ltmp0:
0x13f: {  	s1 =	rddreg [dreg:$0xa];
	[sflag:s7] =	ssyncadd.s32 $0xFFFFA000;
	(pc) =	sbr.rel @p0 .LBB2_1-.Ltmp0, $4  }
0x140: {  	[hbm4b:s1+s2] =	stream.linear.scatter [tilespmem:s0], [sflag:$0x3], $0x6000, $0x38;
	[tilespmem:$0xC100] =	vst v63  }
0x141: {  	_ =	swait.ge [sflag:s7], $0x6000  }
0x142: {  	[sflag:s7] =	ssyncset.done $0x0  }
0x143: {  	s5 =	sadd.s32 $0xFFFFFFFF, s5;
	[sflag:s7] =	ssyncadd.s32 $0xFFFFA000  }
0x144: {  	_ =	sfence.sel $0x180000  }
0x145: {  	[bflag:$0x0] =	sbarrier.arrive $0xFFFF  }
0x146: {  	_ =	strace $0x9000004A  }
0x147: {  	s0 =	stileid.u32;
	[bflag:$0x2] =	sbarrier.arrive $0xFFFF  }
0x148: {  	p0 =	sne.s32 s0, $0x0;
	s0 =	rddreg [dreg:$0x2]  }
0x149: {  	s0 =	sadd.s32 @!p0 $0x100000, s0  }
0x14a: {  	[sflag:s0] =	ssyncadd.tile.s32 @!p0 $0x1;
	_ =	shalt  }
.Lfunc_end2:
_tile_overlayer_lowered:
.L_overlay_start_2:
0x14b: {  	(tag) =	ssettag $0x2  }
0x14c: {  	s0 =	rddreg [dreg:$0x0];
	s2 =	stileid.u32  }
0x14d: {  	s1 =	rddreg [dreg:$0x1];
	p0 =	sne.s32 s2, $0x0  }
0x14e: {  	s3 =	rddreg [dreg:$0x2];
	[bflag:$0x3] =	sbarrier.arrive $0xFFFF;
	s2 =	simm.s32 @!p0 $0x1C03  }
0x14f: {  	[timem:s3], [sflag:s2] =	dma.local @!p0 [hbm:s0], s1  }
0x150: {  	s0 =	simm.s32 @!p0 $0x3  }
0x151: {  	_ =	swait.ge @!p0 [sflag:s0], s1  }
0x152: {  	s1 =	ssub.s32 @!p0 $0x0, s1;
	[sflag:s0] =	ssyncset.done @!p0 $0x0  }
0x153: {  	[sflag:s0] =	ssyncadd.s32 @!p0 s1  }
0x154: {  	[bflag:$0x3] =	sbarrier.arrive $0xFFFF  }
0x155: {  	_ =	shalt  }

// kernel: kernel.7.cloned.1.call-start
scs
__scs_entry_jumppad:
0x0: {  	(pc) =	sbr.rel $0x88, $3  }
0x1: {  	(tag) =	ssettag $0x0;
	lr =	simm.s32 $0x1  }
0x2: {  	[smem:$0x3F9A] =	sst lr;
	_ =	strace $0xD0000000  }
0x3: {  	_ = 	snop  }
0x4: {  	_ = 	snop  }
0x5: {  	_ = 	snop  }
0x6: {  	_ = 	snop  }
0x7: {  	_ = 	snop  }
__scs_overlays_trampoline_lowered:
0x8: {  	[smem:$0x3FA9] =	sst s0  }
0x9: {  	[smem:$0x3FAA] =	sst s1  }
0xa: {  	[smem:$0x3FAB] =	sst s2  }
0xb: {  	[smem:$0x3FAC] =	sst s3  }
0xc: {  	[smem:$0x3FAD] =	sst s4  }
0xd: {  	[smem:$0x3FAE] =	sst s5  }
0xe: {  	[smem:$0x3FAF] =	sst s6  }
0xf: {  	[smem:$0x3FB0] =	sst s7  }
0x10: {  	[smem:$0x3FB1] =	sst s8  }
0x11: {  	[smem:$0x3FB2] =	sst s9;
	s0 =	simm.s32 @!p0 $0x0  }
0x12: {  	s1 =	sld [smem:$0x3F98];
	s0 =	simm.s32 @p0 $0x1  }
0x13: {  	[smem:$0x3FB3] =	sst s0;
	s0 =	simm.s32 @!p1 $0x0  }
0x14: {  	s2 =	sld [smem:$0x3F97];
	s0 =	simm.s32 @p1 $0x1  }
0x15: {  	[smem:$0x3FB4] =	sst s0;
	s0 =	simm.s32 @!p2 $0x0  }
0x16: {  	s3 =	sld [smem:$0x3FDB];
	s0 =	simm.s32 @p2 $0x1  }
0x17: {  	s4 =	simm.s32 $0x1BF5;
	[smem:$0x3FB6] =	sst s0  }
0x18: {  	s0 =	sld [smem:$0x3F99];
	_ =	swait.ge [sflag:s4], $0x0  }
0x19: {  	s7 =	sld [smem:$0x3F9A]  }
0x1a: {  	s8 =	sadd.s32 $0xFFFFE003, lr  }
0x1b: {  	s9 =	sadd.s32 $0xFFFFFEF7, lr;
	s5 =	simm.s32 $0xFFFFFFFF;
	p2 =	slt.u32 s8, $0xFFFFF086  }
0x1c: {  	p1 =	slt.u32 s9, $0xF7A;
	s5 =	simm.s32 @!p2 $0x0  }
0x1d: {  	s5 =	simm.s32 @p1 $0x1;
	p0 =	seq.s32 s7, s2  }
0x1e: {  	s7 =	smul.u32 @!p0 $0xF7A, s2;
	p2 =	seq.s32 @!p0 s5, $0x0  }
0x1f: {  	s9 =	smul.u32 $0xF7A, s1;
	s8 =	simm.s32 @!p0 $0x1BF5;
	p2 =	por !p2, p0  }
0x20: {  	[sflag:s8] =	ssyncset.s32 @!p0 $0xFFFFF086;
	s6 =	sadd.s32 @!p0 s3, s7;
	s7 =	simm.s32 @!p0 $0x108  }
0x21: {  	s3 =	sadd.s32 s3, s9;
	s6 =	sadd.s32 @!p0 $0x88, s6;
	s7 =	simm.s32 @p2 $0x1082  }
0x22: {  	[simem:s7], [sflag:s8] =	dma.local @!p0 [hbm:s6], $0xF7A  }
0x23: {  	s9 =	sor.u32 $0xD0000000, s2;
	s6 =	simm.s32 $0x108;
	_ =	swait.ge @!p0 [sflag:s8], $0x0  }
0x24: {  	s3 =	sadd.s32 $0x88, s3;
	s6 =	simm.s32 @!p1 $0x1082;
	[sflag:s4] =	ssyncset.s32 $0xFFFFF086  }
0x25: {  	[simem:s6], [sflag:s4] =	dma.local [hbm:s3], $0xF7A  }
0x26: {  	[smem:$0x3F9A] =	sst s1;
	(tag) =	ssettag s2;
	_ =	strace s9  }
0x27: {  	s1 =	sld [smem:$0x3FAA]  }
0x28: {  	s2 =	sld [smem:$0x3FAB]  }
0x29: {  	s4 =	sld [smem:$0x3FAD]  }
0x2a: {  	p0 =	seq.s32 s5, $0x0;
	s5 =	sld [smem:$0x3FAE]  }
0x2b: {  	s6 =	sld [smem:$0x3FAF]  }
0x2c: {  	s7 =	sld [smem:$0x3FB0]  }
0x2d: {  	s3 =	simm.s32 $0x108;
	s8 =	sld [smem:$0x3FB1]  }
0x2e: {  	s3 =	simm.s32 @!p0 $0x1082;
	s9 =	sld [smem:$0x3FB2]  }
0x2f: {  	lr =	sadd.s32 s0, s3;
	s0 =	sld [smem:$0x3FA9]  }
0x30: {  	s3 =	sld [smem:$0x3FAC]  }
0x31: {  	[smem:$0x3FB5] =	sst s10  }
0x32: {  	s10 =	sld [smem:$0x3FB3];
	_ =	sdelay $0x3  }
0x33: {  	p0 =	seq.s32 s10, $0x1;
	s10 =	sld [smem:$0x3FB5];
	_ =	sdelay $0x3  }
0x34: {  	[smem:$0x3FB5] =	sst s10  }
0x35: {  	s10 =	sld [smem:$0x3FB4];
	_ =	sdelay $0x3  }
0x36: {  	p1 =	seq.s32 s10, $0x1;
	s10 =	sld [smem:$0x3FB5];
	_ =	sdelay $0x3  }
0x37: {  	[smem:$0x3FB5] =	sst s10  }
0x38: {  	s10 =	sld [smem:$0x3FB6]  }
0x39: {  	_ = 	snop;
	(pc) =	sbr.ind lr, $3  }
0x3a: {  	_ = 	snop  }
0x3b: {  	_ = 	snop  }
0x3c: {  	p2 =	seq.s32 s10, $0x1;
	s10 =	sld [smem:$0x3FB5]  }
0x3d: {  	_ =	shalt  }
0x3e: {  	_ =	shalt  }
0x3f: {  	_ =	shalt  }
0x40: {  	_ =	shalt  }
0x41: {  	_ =	shalt  }
0x42: {  	_ =	shalt  }
0x43: {  	_ =	shalt  }
0x44: {  	_ =	shalt  }
0x45: {  	_ =	shalt  }
0x46: {  	_ =	shalt  }
0x47: {  	_ =	shalt  }
0x48: {  	_ =	shalt  }
0x49: {  	_ =	shalt  }
0x4a: {  	_ =	shalt  }
0x4b: {  	_ =	shalt  }
0x4c: {  	_ =	shalt  }
0x4d: {  	_ =	shalt  }
0x4e: {  	_ =	shalt  }
0x4f: {  	_ =	shalt  }
0x50: {  	_ =	shalt  }
0x51: {  	_ =	shalt  }
0x52: {  	_ =	shalt  }
0x53: {  	_ =	shalt  }
0x54: {  	_ =	shalt  }
0x55: {  	_ =	shalt  }
0x56: {  	_ =	shalt  }
0x57: {  	_ =	shalt  }
0x58: {  	_ =	shalt  }
0x59: {  	_ =	shalt  }
0x5a: {  	_ =	shalt  }
0x5b: {  	_ =	shalt  }
0x5c: {  	_ =	shalt  }
0x5d: {  	_ =	shalt  }
0x5e: {  	_ =	shalt  }
0x5f: {  	_ =	shalt  }
0x60: {  	_ =	shalt  }
0x61: {  	_ =	shalt  }
0x62: {  	_ =	shalt  }
0x63: {  	_ =	shalt  }
0x64: {  	_ =	shalt  }
0x65: {  	_ =	shalt  }
0x66: {  	_ =	shalt  }
0x67: {  	_ =	shalt  }
0x68: {  	_ =	shalt  }
0x69: {  	_ =	shalt  }
0x6a: {  	_ =	shalt  }
0x6b: {  	_ =	shalt  }
0x6c: {  	_ =	shalt  }
0x6d: {  	_ =	shalt  }
0x6e: {  	_ =	shalt  }
0x6f: {  	_ =	shalt  }
0x70: {  	_ =	shalt  }
0x71: {  	_ =	shalt  }
0x72: {  	_ =	shalt  }
0x73: {  	_ =	shalt  }
0x74: {  	_ =	shalt  }
0x75: {  	_ =	shalt  }
0x76: {  	_ =	shalt  }
0x77: {  	_ =	shalt  }
0x78: {  	_ =	shalt  }
0x79: {  	_ =	shalt  }
0x7a: {  	_ =	shalt  }
0x7b: {  	_ =	shalt  }
0x7c: {  	_ =	shalt  }
0x7d: {  	_ =	shalt  }
0x7e: {  	_ =	shalt  }
0x7f: {  	_ =	shalt  }
0x80: {  	_ =	shalt  }
0x81: {  	_ =	shalt  }
0x82: {  	_ =	shalt  }
0x83: {  	_ =	shalt  }
0x84: {  	_ =	shalt  }
0x85: {  	_ =	shalt  }
0x86: {  	_ =	shalt  }
0x87: {  	_ =	shalt  }
.Lfunc_end0:
.L_simem_size_0:
called_computation_lowered:
.L_overlay_start_0:
0x88: {  	s2 =	sld [smem:$0x3FD9]  }
0x89: {  	s3 =	sld [smem:$0x3FFE];
	_ =	sdelay $0x1  }
0x8a: {  	s1 =	srdreg.scid  }
0x8b: {  	s0 =	sand.u32 $0x1, s1  }
0x8c: {  	s14 =	sshll.u32 s0, $0xA;
	s2 =	sadd.s32 s3, s2  }
0x8d: {  	s2 =	sadd.s32 s2, s14  }
0x8e: {  	[smem:$0x3FC1] =	sst s2  }
0x8f: {  	_ = 	snop  }
0x90: {  	s2 =	sld [smem:$0x3FD0];
	_ =	sdelay $0x2  }
0x91: {  	s15 =	simm.s32 $0xA;
	s4 =	simm.s32 $0x10  }
0x92: {  	[smem:s4], [sflag:s15] =	dma.local [hbm:s2], $0x1  }
0x93: {  	_ =	swait.eq [sflag:s15], $0x1  }
0x94: {  	[sflag:s15] =	ssyncset.done $0x0  }
0x95: {  	[sflag:s15] =	ssyncadd.s32 $0xFFFFFFFF  }
0x96: {  	s16 =	sld [smem:$0x10];
	(tm) =	ssettm $0x1  }
0x97: {  	s17 =	sld [smem:$0x3FFB];
	_ =	sdelay $0x3  }
0x98: {  	_ =	strace s17  }
0x99: {  	s3 =	sld [smem:$0x3FFC];
	_ =	sdelay $0x3  }
0x9a: {  	_ =	strace s3  }
0x9b: {  	s3 =	sld [smem:$0x3FFD];
	_ =	sdelay $0x3  }
0x9c: {  	_ =	strace s3  }
0x9d: {  	_ =	strace $0x8FFFFFFF  }
0x9e: {  	s18 =	sld [smem:$0x3FDB];
	_ =	sdelay $0x1  }
0x9f: {  	s19 =	simm.s32 $_scs_section_size  }
0xa0: {  	s5 =	simm.s32 $_size__tile_overlayer_lowered;
	s6 =	simm.s32 $_tile_overlayer_lowered  }
0xa1: {  	s22 =	simm.s32 $0x1BFF;
	s21 =	sshll.u32 s6, $0x1;
	s3 =	sadd.s32 s19, s18  }
0xa2: {  	s7 =	simm.s32 $0x0;
	s20 =	sshll.u32 s5, $0x1;
	s5 =	sadd.s32 s21, s3  }
0xa3: {  	[timem:s7], [sflag:s22] =	dma.local [hbm:s5], s20  }
0xa4: {  	_ =	swait.ge [sflag:s22], s20  }
0xa5: {  	s4 =	ssub.s32 $0x0, s20;
	[sflag:s22] =	ssyncset.done $0x0  }
0xa6: {  	[sflag:s22] =	ssyncadd.s32 s4;
	_ =	sdelay $0x1  }
0xa7: {  	s23 =	simm.s32 $0x1B8B  }
0xa8: {  	_ =	swait.ge [sflag:s23], $0x1  }
0xa9: {  	[sflag:s23] =	ssyncset.done $0x0  }
0xaa: {  	s25 =	simm.s32 $0x1B8E;
	s24 =	sld [smem:$0x3FFE];
	[sflag:s23] =	ssyncadd.s32 $0xFFFFFFFF  }
0xab: {  	s26 =	simm.s32 $execute0_lowered;
	[smem:$0x3FD2] =	sst s25  }
0xac: {  	s5 =	sshll.u32 s26, $0x1;
	_ =	strace $0x80000046;
	[dreg:$0x1] =	wrdreg $0xFFFFFFFF  }
0xad: {  	s28 =	simm.s32 $_size_execute0_lowered;
	s3 =	sadd.s32 s3, s5;
	[dreg:$0x0] =	wrdreg $0x0  }
0xae: {  	s5 =	sshll.u32 s28, $0x1;
	[dreg:$0x2] =	wrdreg s3  }
0xaf: {  	[dreg:$0x3] =	wrdreg s5  }
0xb0: {  	[dreg:$0x4] =	wrdreg $0xC0  }
0xb1: {  	_ =	task [dreg:s7], $0x5FFFF  }
0xb2: {  	[dreg:$0x1] =	wrdreg $0xFFFFFFFF  }
0xb3: {  	[dreg:$0x0] =	wrdreg $0x60  }
0xb4: {  	[dreg:$0x2] =	wrdreg s16  }
0xb5: {  	[dreg:$0x3] =	wrdreg s24  }
0xb6: {  	[dreg:$0x4] =	wrdreg $0x9  }
0xb7: {  	_ =	task.clear_ibuf [dreg:s7], $0x5FFFF;
	_ =	strace $0x90000046  }
0xb8: {  	s29 =	simm.s32 $0x9;
	_ =	strace $0x80000048  }
0xb9: {  	_ =	swait.ge [sflag:s29], $0x1  }
0xba: {  	[sflag:s29] =	ssyncadd.s32 $0xFFFFFFFF  }
0xbb: {  	_ =	strace $0x90000048  }
0xbc: {  	_ =	sfence  }
0xbd: {  	s30 =	sld [smem:$0x0];
	_ =	sdelay $0x2  }
0xbe: {  	s31 =	sshll.u32 s1, $0xD;
	s1 =	sshrl.u32 s1, $0x2  }
0xbf: {  	s3 =	sand.u32 $0x4000, s31;
	s1 =	sadd.s32 s1, s30  }
0xc0: {  	s0 =	sor.u32 s3, s0;
	s1 =	sshll.u32 s1, $0x11  }
0xc1: {  	s0 =	sor.u32 s1, s0  }
0xc2: {  	s0 =	sadd.s32 $0x8F2B, s0  }
0xc3: {  	[sflag:s0] =	ssyncadd.remote.s32 $0x1  }
0xc4: {  	_ =	sfence.sel $0xFFFF  }
0xc5: {  	[dreg:$0x0] =	wrdreg $0xFFFFFFFF;
	(pc) =	sbr.abs _section_cstart, $3  }
0xc6: {  	[dreg:$0x1] =	wrdreg $0xFFFFFFFF  }
0xc7: {  	_ =	task.clear_ibuf [dreg:s7], $0x2FFFF;
	_ =	strace $0x9FFFFFFF  }
0xc8: {  	(tm) =	ssettm $0x7FFFFFFF  }
0xc9: {  	_ =	shalt  }
tec
execute0_lowered:
.L_overlay_start_1:
0x0: {  	(tag) =	ssettag $0x1  }
0x1: {  	s0 =	rddreg [dreg:$0x0]  }
0x2: {  	s1 =	rddreg [dreg:$0x1]  }
0x3: {  	s2 =	srdreg.scid;
	s3 =	stileid.u32;
	s25 =	simm.s32 $0xC000  }
0x4: {  	s26 =	simm.s32 $0xC080;
	s16 =	simm.s32 $0x1400;
	s17 =	simm.s32 $0x1800  }
0x5: {  	s18 =	simm.s32 $0x2000;
	s19 =	simm.s32 $0x2400;
	s20 =	simm.s32 $0x2C00  }
0x6: {  	s21 =	simm.s32 $0x3000;
	s22 =	simm.s32 $0x3800;
	s28 =	simm.s32 $0x5400  }
0x7: {  	s29 =	simm.s32 $0x5C00;
	s30 =	simm.s32 $0x6000;
	s31 =	simm.s32 $0x6800  }
0x8: {  	s8 =	simm.s32 $0x8000;
	s9 =	simm.s32 $0x8400;
	s10 =	simm.s32 $0x8C00  }
0x9: {  	s11 =	simm.s32 $0x9000;
	s12 =	simm.s32 $0x9800;
	s13 =	simm.s32 $0x9C00  }
0xa: {  	s4 =	sand.u32 $0x1, s2;
	s2 =	simm.s32 $0x0;
	s3 =	sshll.u32 s3, $0x5  }
0xb: {  	s5 =	sshll.u32 s4, $0x4;
	[smem:$0x7FF] =	sst s2;
	s4 =	ssub.s32 $0x2, s4  }
0xc: {  	s5 =	sor.u32 s5, s3;
	_ =	strace $0x80000047;
	[dreg:$0x6] =	wrdreg s25  }
0xd: {  	s3 =	sadd.s32 $0x3800, s1;
	s23 =	sshrl.u32 s4, $0x1;
	[dreg:$0x7] =	wrdreg s26  }
0xe: {  	s25 =	simm.s32 $0x4800;
	s26 =	simm.s32 $0x5000;
	s6 =	sadd.s32 s5, s1  }
0xf: {  	s5 =	smul.u32 $0x180, s5;
	s24 =	ssub.s32 s4, s23;
	s7 =	sadd.s32 $0x3000, s6  }
0x10: {  	s4 =	sadd.s32 $0x3900, s1;
	s6 =	sadd.s32 $0x3200, s6;
	[dreg:$0x3] =	wrdreg s7  }
0x11: {  	v2 =	vlaneseq.u32;
	s23 =	simm.s32 $0x3C00;
	s1 =	simm.s32 $0x7400;
	[dreg:$0x4] =	wrdreg s6  }
0x12: {  	vm0 =	vmmov $0xffff;
	vm1 =	vmmov $0xff;
	v1 =	vshrl.u32 v2, $0x3;
	s0 =	sadd.s32 s0, s5;
	s5 =	smax.u32 s24, $0x1;
	s6 =	simm.s32 $0x3  }
0x13: {  	v0 =	vand.u32 $0x7, v2;
	v2 =	vor.u32 $0x8, v2;
	v1 =	vmul.u32 $0x8, v1;
	s24 =	simm.s32 $0x4400;
	s7 =	simm.s32 $0x7800;
	[dreg:$0x5] =	wrdreg s0  }
.LBB2_1:
0x14: {  	s14 =	rddreg [dreg:$0x3]  }
0x15: {  	s15 =	rddreg [dreg:$0x6]  }
0x16: {  	[tilespmem:s15], [sflag:$0x3] =	stream.linear.gather [hbm4b:s14+s2], $0x80, $0x38;
	[tilespmem:$0xC100] =	vst v63  }
0x17: {  	_ =	swait.ge [sflag:s6], $0x80  }
0x18: {  	s15 =	rddreg [dreg:$0x4];
	[sflag:s6] =	ssyncset.done $0x0  }
0x19: {  	s0 =	rddreg [dreg:$0x7];
	[sflag:s6] =	ssyncadd.s32 $0xFFFFFF80  }
0x1a: {  	[tilespmem:s0], [sflag:$0x3] =	stream.linear.gather [hbm4b:s15+s2], $0x80, $0x38;
	[tilespmem:$0xC100] =	vst v63  }
0x1b: {  	_ =	swait.ge [sflag:s6], $0x80  }
0x1c: {  	[sflag:s6] =	ssyncset.done $0x0  }
0x1d: {  	s0 =	rddreg [dreg:$0x5];
	[sflag:s6] =	ssyncadd.s32 $0xFFFFFF80  }
0x1e: {  	[tilespmem:s2], [sflag:$0x3] =	stream.linear.gather [hbm4b:s0+s2], $0xC000, $0x38;
	[tilespmem:$0xC100] =	vst v63  }
0x1f: {  	_ =	swait.ge [sflag:s6], $0xC000  }
0x20: {  	[sflag:s6] =	ssyncset.done $0x0  }
0x21: {  	[sflag:s6] =	ssyncadd.s32 $0xFFFF4000  }
0x22: {  	v3 =	vld [tilespmem:$0xC000];
	_ =	sdelay $0x4  }
0x23: {  	v4 =	vshrl.u32 v3, $0x3  }
0x24: {  	v4 =	vmul.u32 $0x18, v4  }
0x25: {  	v3 =	vand.u32 $0x7, v3  }
0x26: {  	v3 =	vor.u32 v3, v4  }
0x27: {  	v4 =	vperm.xlane v3, v0;
	_ =	sdelay $0x1  }
0x28: {  	v4 =	vadd.s32 v1, v4;
	_ =	sdelay $0x1  }
0x29: {  	v3 =	vperm.xlane v3, v2;
	_ =	sdelay $0x1  }
0x2a: {  	v3 =	vadd.s32 v1, v3  }
0x2b: {  	[hbm4b:s3+s2] =	stream.indirect_vreg.scatter [tilespmem:s2], [sflag:$0x1], $0x80, v4, vm0, $0xb8;
	[tilespmem:$0xC100] =	vst v63  }
0x2c: {  	s14 =	simm.s32 $0x800  }
0x2d: {  	[hbm4b:s4+s2] =	stream.indirect_vreg.scatter [tilespmem:s14], [sflag:$0x1], $0x80, v4, vm1, $0xb8;
	[tilespmem:$0xC100] =	vst v63  }
0x2e: {  	s15 =	simm.s32 $0xC00  }
0x2f: {  	[hbm4b:s3+s2] =	stream.indirect_vreg.scatter [tilespmem:s15], [sflag:$0x1], $0x80, v3, vm0, $0xb8;
	[tilespmem:$0xC100] =	vst v63  }
0x30: {  	_ = 	snop  }
0x31: {  	[hbm4b:s4+s2] =	stream.indirect_vreg.scatter [tilespmem:s16], [sflag:$0x1], $0x80, v3, vm1, $0xb8;
	[tilespmem:$0xC100] =	vst v63  }
0x32: {  	v3 =	vld [tilespmem:$0xC010];
	_ =	sdelay $0x4  }
0x33: {  	v49 =	vshrl.u32 v3, $0x3  }
0x34: {  	v4 =	vmul.u32 $0x18, v49  }
0x35: {  	v3 =	vand.u32 $0x7, v3  }
0x36: {  	v3 =	vor.u32 v3, v4  }
0x37: {  	v4 =	vperm.xlane v3, v0;
	_ =	sdelay $0x1  }
0x38: {  	v4 =	vadd.s32 v1, v4;
	_ =	sdelay $0x1  }
0x39: {  	v3 =	vperm.xlane v3, v2;
	_ =	sdelay $0x1  }
0x3a: {  	v3 =	vadd.s32 v1, v3  }
0x3b: {  	[hbm4b:s3+s2] =	stream.indirect_vreg.scatter [tilespmem:s17], [sflag:$0x1], $0x80, v4, vm0, $0xb8;
	[tilespmem:$0xC100] =	vst v63  }
0x3c: {  	_ = 	snop  }
0x3d: {  	[hbm4b:s4+s2] =	stream.indirect_vreg.scatter [tilespmem:s18], [sflag:$0x1], $0x80, v4, vm1, $0xb8;
	[tilespmem:$0xC100] =	vst v63  }
0x3e: {  	_ = 	snop  }
0x3f: {  	[hbm4b:s3+s2] =	stream.indirect_vreg.scatter [tilespmem:s19], [sflag:$0x1], $0x80, v3, vm0, $0xb8;
	[tilespmem:$0xC100] =	vst v63  }
0x40: {  	_ = 	snop  }
0x41: {  	[hbm4b:s4+s2] =	stream.indirect_vreg.scatter [tilespmem:s20], [sflag:$0x1], $0x80, v3, vm1, $0xb8;
	[tilespmem:$0xC100] =	vst v63  }
0x42: {  	v3 =	vld [tilespmem:$0xC020];
	_ =	sdelay $0x4  }
0x43: {  	v50 =	vshrl.u32 v3, $0x3  }
0x44: {  	v4 =	vmul.u32 $0x18, v50  }
0x45: {  	v3 =	vand.u32 $0x7, v3  }
0x46: {  	v3 =	vor.u32 v3, v4  }
0x47: {  	v4 =	vperm.xlane v3, v0;
	_ =	sdelay $0x1  }
0x48: {  	v4 =	vadd.s32 v1, v4;
	_ =	sdelay $0x1  }
0x49: {  	v3 =	vperm.xlane v3, v2;
	_ =	sdelay $0x1  }
0x4a: {  	v3 =	vadd.s32 v1, v3  }
0x4b: {  	[hbm4b:s3+s2] =	stream.indirect_vreg.scatter [tilespmem:s21], [sflag:$0x1], $0x80, v4, vm0, $0xb8;
	[tilespmem:$0xC100] =	vst v63  }
0x4c: {  	_ = 	snop  }
0x4d: {  	[hbm4b:s4+s2] =	stream.indirect_vreg.scatter [tilespmem:s22], [sflag:$0x1], $0x80, v4, vm1, $0xb8;
	[tilespmem:$0xC100] =	vst v63  }
0x4e: {  	_ = 	snop  }
0x4f: {  	[hbm4b:s3+s2] =	stream.indirect_vreg.scatter [tilespmem:s23], [sflag:$0x1], $0x80, v3, vm0, $0xb8;
	[tilespmem:$0xC100] =	vst v63  }
0x50: {  	_ = 	snop  }
0x51: {  	[hbm4b:s4+s2] =	stream.indirect_vreg.scatter [tilespmem:s24], [sflag:$0x1], $0x80, v3, vm1, $0xb8;
	[tilespmem:$0xC100] =	vst v63  }
0x52: {  	v3 =	vld [tilespmem:$0xC030];
	_ =	sdelay $0x4  }
0x53: {  	v51 =	vshrl.u32 v3, $0x3  }
0x54: {  	v4 =	vmul.u32 $0x18, v51  }
0x55: {  	v3 =	vand.u32 $0x7, v3  }
0x56: {  	v3 =	vor.u32 v3, v4  }
0x57: {  	v4 =	vperm.xlane v3, v0;
	_ =	sdelay $0x1  }
0x58: {  	v4 =	vadd.s32 v1, v4;
	_ =	sdelay $0x1  }
0x59: {  	v3 =	vperm.xlane v3, v2;
	_ =	sdelay $0x1  }
0x5a: {  	v3 =	vadd.s32 v1, v3  }
0x5b: {  	[hbm4b:s3+s2] =	stream.indirect_vreg.scatter [tilespmem:s25], [sflag:$0x1], $0x80, v4, vm0, $0xb8;
	[tilespmem:$0xC100] =	vst v63  }
0x5c: {  	_ = 	snop  }
0x5d: {  	[hbm4b:s4+s2] =	stream.indirect_vreg.scatter [tilespmem:s26], [sflag:$0x1], $0x80, v4, vm1, $0xb8;
	[tilespmem:$0xC100] =	vst v63  }
0x5e: {  	_ = 	snop  }
0x5f: {  	[hbm4b:s3+s2] =	stream.indirect_vreg.scatter [tilespmem:s28], [sflag:$0x1], $0x80, v3, vm0, $0xb8;
	[tilespmem:$0xC100] =	vst v63  }
0x60: {  	_ = 	snop  }
0x61: {  	[hbm4b:s4+s2] =	stream.indirect_vreg.scatter [tilespmem:s29], [sflag:$0x1], $0x80, v3, vm1, $0xb8;
	[tilespmem:$0xC100] =	vst v63  }
0x62: {  	v3 =	vld [tilespmem:$0xC040];
	_ =	sdelay $0x4  }
0x63: {  	v52 =	vshrl.u32 v3, $0x3  }
0x64: {  	v4 =	vmul.u32 $0x18, v52  }
0x65: {  	v3 =	vand.u32 $0x7, v3  }
0x66: {  	v3 =	vor.u32 v3, v4  }
0x67: {  	v4 =	vperm.xlane v3, v0;
	_ =	sdelay $0x1  }
0x68: {  	v4 =	vadd.s32 v1, v4;
	_ =	sdelay $0x1  }
0x69: {  	v3 =	vperm.xlane v3, v2;
	_ =	sdelay $0x1  }
0x6a: {  	v3 =	vadd.s32 v1, v3  }
0x6b: {  	[hbm4b:s3+s2] =	stream.indirect_vreg.scatter [tilespmem:s30], [sflag:$0x1], $0x80, v4, vm0, $0xb8;
	[tilespmem:$0xC100] =	vst v63  }
0x6c: {  	_ = 	snop  }
0x6d: {  	[hbm4b:s4+s2] =	stream.indirect_vreg.scatter [tilespmem:s31], [sflag:$0x1], $0x80, v4, vm1, $0xb8;
	[tilespmem:$0xC100] =	vst v63  }
0x6e: {  	s0 =	simm.s32 $0x6C00  }
0x6f: {  	[hbm4b:s3+s2] =	stream.indirect_vreg.scatter [tilespmem:s0], [sflag:$0x1], $0x80, v3, vm0, $0xb8;
	[tilespmem:$0xC100] =	vst v63  }
0x70: {  	_ = 	snop  }
0x71: {  	[hbm4b:s4+s2] =	stream.indirect_vreg.scatter [tilespmem:s1], [sflag:$0x1], $0x80, v3, vm1, $0xb8;
	[tilespmem:$0xC100] =	vst v63  }
0x72: {  	v3 =	vld [tilespmem:$0xC050];
	_ =	sdelay $0x4  }
0x73: {  	v53 =	vshrl.u32 v3, $0x3  }
0x74: {  	v4 =	vmul.u32 $0x18, v53  }
0x75: {  	v3 =	vand.u32 $0x7, v3  }
0x76: {  	v3 =	vor.u32 v3, v4  }
0x77: {  	v4 =	vperm.xlane v3, v0;
	_ =	sdelay $0x1  }
0x78: {  	v4 =	vadd.s32 v1, v4;
	_ =	sdelay $0x1  }
0x79: {  	v3 =	vperm.xlane v3, v2;
	_ =	sdelay $0x1  }
0x7a: {  	v3 =	vadd.s32 v1, v3  }
0x7b: {  	[hbm4b:s3+s2] =	stream.indirect_vreg.scatter [tilespmem:s7], [sflag:$0x1], $0x80, v4, vm0, $0xb8;
	[tilespmem:$0xC100] =	vst v63  }
0x7c: {  	_ = 	snop  }
0x7d: {  	[hbm4b:s4+s2] =	stream.indirect_vreg.scatter [tilespmem:s8], [sflag:$0x1], $0x80, v4, vm1, $0xb8;
	[tilespmem:$0xC100] =	vst v63  }
0x7e: {  	_ = 	snop  }
0x7f: {  	[hbm4b:s3+s2] =	stream.indirect_vreg.scatter [tilespmem:s9], [sflag:$0x1], $0x80, v3, vm0, $0xb8;
	[tilespmem:$0xC100] =	vst v63  }
0x80: {  	_ = 	snop  }
0x81: {  	[hbm4b:s4+s2] =	stream.indirect_vreg.scatter [tilespmem:s10], [sflag:$0x1], $0x80, v3, vm1, $0xb8;
	[tilespmem:$0xC100] =	vst v63  }
0x82: {  	v3 =	vld [tilespmem:$0xC060];
	_ =	sdelay $0x4  }
0x83: {  	v54 =	vshrl.u32 v3, $0x3  }
0x84: {  	v4 =	vmul.u32 $0x18, v54  }
0x85: {  	v3 =	vand.u32 $0x7, v3  }
0x86: {  	v3 =	vor.u32 v3, v4  }
0x87: {  	v4 =	vperm.xlane v3, v0;
	_ =	sdelay $0x1  }
0x88: {  	v4 =	vadd.s32 v1, v4;
	_ =	sdelay $0x1  }
0x89: {  	v3 =	vperm.xlane v3, v2;
	_ =	sdelay $0x1  }
0x8a: {  	v3 =	vadd.s32 v1, v3  }
0x8b: {  	[hbm4b:s3+s2] =	stream.indirect_vreg.scatter [tilespmem:s11], [sflag:$0x1], $0x80, v4, vm0, $0xb8;
	[tilespmem:$0xC100] =	vst v63  }
0x8c: {  	_ = 	snop  }
0x8d: {  	[hbm4b:s4+s2] =	stream.indirect_vreg.scatter [tilespmem:s12], [sflag:$0x1], $0x80, v4, vm1, $0xb8;
	[tilespmem:$0xC100] =	vst v63  }
0x8e: {  	_ = 	snop  }
0x8f: {  	[hbm4b:s3+s2] =	stream.indirect_vreg.scatter [tilespmem:s13], [sflag:$0x1], $0x80, v3, vm0, $0xb8;
	[tilespmem:$0xC100] =	vst v63  }
0x90: {  	s0 =	simm.s32 $0xA400  }
0x91: {  	[hbm4b:s4+s2] =	stream.indirect_vreg.scatter [tilespmem:s0], [sflag:$0x1], $0x80, v3, vm1, $0xb8;
	[tilespmem:$0xC100] =	vst v63  }
0x92: {  	v3 =	vld [tilespmem:$0xC070];
	_ =	sdelay $0x4  }
0x93: {  	v55 =	vshrl.u32 v3, $0x3  }
0x94: {  	v4 =	vmul.u32 $0x18, v55  }
0x95: {  	v3 =	vand.u32 $0x7, v3  }
0x96: {  	v3 =	vor.u32 v3, v4  }
0x97: {  	v4 =	vperm.xlane v3, v0;
	_ =	sdelay $0x1  }
0x98: {  	v4 =	vadd.s32 v1, v4;
	_ =	sdelay $0x1  }
0x99: {  	v3 =	vperm.xlane v3, v2;
	_ =	sdelay $0x1  }
0x9a: {  	s0 =	simm.s32 $0xA800;
	v3 =	vadd.s32 v1, v3  }
0x9b: {  	[hbm4b:s3+s2] =	stream.indirect_vreg.scatter [tilespmem:s0], [sflag:$0x1], $0x80, v4, vm0, $0xb8;
	[tilespmem:$0xC100] =	vst v63  }
0x9c: {  	s0 =	simm.s32 $0xB000  }
0x9d: {  	[hbm4b:s4+s2] =	stream.indirect_vreg.scatter [tilespmem:s0], [sflag:$0x1], $0x80, v4, vm1, $0xb8;
	[tilespmem:$0xC100] =	vst v63  }
0x9e: {  	s0 =	simm.s32 $0xB400  }
0x9f: {  	[hbm4b:s3+s2] =	stream.indirect_vreg.scatter [tilespmem:s0], [sflag:$0x1], $0x80, v3, vm0, $0xb8;
	[tilespmem:$0xC100] =	vst v63  }
0xa0: {  	s0 =	simm.s32 $0xBC00  }
0xa1: {  	[hbm4b:s4+s2] =	stream.indirect_vreg.scatter [tilespmem:s0], [sflag:$0x1], $0x80, v3, vm1, $0xb8;
	[tilespmem:$0xC100] =	vst v63  }
0xa2: {  	v3 =	vld [tilespmem:$0xC080];
	_ =	sdelay $0x4  }
0xa3: {  	v56 =	vshrl.u32 v3, $0x3  }
0xa4: {  	v4 =	vmul.u32 $0x18, v56  }
0xa5: {  	v3 =	vand.u32 $0x7, v3  }
0xa6: {  	v3 =	vor.u32 v3, v4  }
0xa7: {  	v4 =	vperm.xlane v3, v0;
	_ =	sdelay $0x1  }
0xa8: {  	v4 =	vadd.s32 v1, v4;
	_ =	sdelay $0x1  }
0xa9: {  	v3 =	vperm.xlane v3, v2;
	_ =	sdelay $0x1  }
0xaa: {  	v3 =	vadd.s32 v1, v3  }
0xab: {  	[hbm4b:s3+s2] =	stream.indirect_vreg.scatter [tilespmem:s2], [sflag:$0x2], $0x80, v4, vm0, $0xb8;
	[tilespmem:$0xC100] =	vst v63  }
0xac: {  	_ = 	snop  }
0xad: {  	[hbm4b:s4+s2] =	stream.indirect_vreg.scatter [tilespmem:s14], [sflag:$0x2], $0x80, v4, vm1, $0xb8;
	[tilespmem:$0xC100] =	vst v63  }
0xae: {  	_ = 	snop  }
0xaf: {  	[hbm4b:s3+s2] =	stream.indirect_vreg.scatter [tilespmem:s15], [sflag:$0x2], $0x80, v3, vm0, $0xb8;
	[tilespmem:$0xC100] =	vst v63  }
0xb0: {  	_ = 	snop  }
0xb1: {  	[hbm4b:s4+s2] =	stream.indirect_vreg.scatter [tilespmem:s16], [sflag:$0x2], $0x80, v3, vm1, $0xb8;
	[tilespmem:$0xC100] =	vst v63  }
0xb2: {  	v3 =	vld [tilespmem:$0xC090];
	_ =	sdelay $0x4  }
0xb3: {  	v57 =	vshrl.u32 v3, $0x3  }
0xb4: {  	v4 =	vmul.u32 $0x18, v57  }
0xb5: {  	v3 =	vand.u32 $0x7, v3  }
0xb6: {  	v3 =	vor.u32 v3, v4  }
0xb7: {  	v4 =	vperm.xlane v3, v0;
	_ =	sdelay $0x1  }
0xb8: {  	v4 =	vadd.s32 v1, v4;
	_ =	sdelay $0x1  }
0xb9: {  	v3 =	vperm.xlane v3, v2;
	_ =	sdelay $0x1  }
0xba: {  	v3 =	vadd.s32 v1, v3  }
0xbb: {  	[hbm4b:s3+s2] =	stream.indirect_vreg.scatter [tilespmem:s17], [sflag:$0x2], $0x80, v4, vm0, $0xb8;
	[tilespmem:$0xC100] =	vst v63  }
0xbc: {  	_ = 	snop  }
0xbd: {  	[hbm4b:s4+s2] =	stream.indirect_vreg.scatter [tilespmem:s18], [sflag:$0x2], $0x80, v4, vm1, $0xb8;
	[tilespmem:$0xC100] =	vst v63  }
0xbe: {  	_ = 	snop  }
0xbf: {  	[hbm4b:s3+s2] =	stream.indirect_vreg.scatter [tilespmem:s19], [sflag:$0x2], $0x80, v3, vm0, $0xb8;
	[tilespmem:$0xC100] =	vst v63  }
0xc0: {  	_ = 	snop  }
0xc1: {  	[hbm4b:s4+s2] =	stream.indirect_vreg.scatter [tilespmem:s20], [sflag:$0x2], $0x80, v3, vm1, $0xb8;
	[tilespmem:$0xC100] =	vst v63  }
0xc2: {  	v3 =	vld [tilespmem:$0xC0A0];
	_ =	sdelay $0x4  }
0xc3: {  	v58 =	vshrl.u32 v3, $0x3  }
0xc4: {  	v4 =	vmul.u32 $0x18, v58  }
0xc5: {  	v3 =	vand.u32 $0x7, v3  }
0xc6: {  	v3 =	vor.u32 v3, v4  }
0xc7: {  	v4 =	vperm.xlane v3, v0;
	_ =	sdelay $0x1  }
0xc8: {  	v4 =	vadd.s32 v1, v4;
	_ =	sdelay $0x1  }
0xc9: {  	v3 =	vperm.xlane v3, v2;
	_ =	sdelay $0x1  }
0xca: {  	v3 =	vadd.s32 v1, v3  }
0xcb: {  	[hbm4b:s3+s2] =	stream.indirect_vreg.scatter [tilespmem:s21], [sflag:$0x2], $0x80, v4, vm0, $0xb8;
	[tilespmem:$0xC100] =	vst v63  }
0xcc: {  	_ = 	snop  }
0xcd: {  	[hbm4b:s4+s2] =	stream.indirect_vreg.scatter [tilespmem:s22], [sflag:$0x2], $0x80, v4, vm1, $0xb8;
	[tilespmem:$0xC100] =	vst v63  }
0xce: {  	_ = 	snop  }
0xcf: {  	[hbm4b:s3+s2] =	stream.indirect_vreg.scatter [tilespmem:s23], [sflag:$0x2], $0x80, v3, vm0, $0xb8;
	[tilespmem:$0xC100] =	vst v63  }
0xd0: {  	_ = 	snop  }
0xd1: {  	[hbm4b:s4+s2] =	stream.indirect_vreg.scatter [tilespmem:s24], [sflag:$0x2], $0x80, v3, vm1, $0xb8;
	[tilespmem:$0xC100] =	vst v63  }
0xd2: {  	v3 =	vld [tilespmem:$0xC0B0];
	_ =	sdelay $0x4  }
0xd3: {  	v59 =	vshrl.u32 v3, $0x3  }
0xd4: {  	v4 =	vmul.u32 $0x18, v59  }
0xd5: {  	v3 =	vand.u32 $0x7, v3  }
0xd6: {  	v3 =	vor.u32 v3, v4  }
0xd7: {  	v4 =	vperm.xlane v3, v0;
	_ =	sdelay $0x1  }
0xd8: {  	v4 =	vadd.s32 v1, v4;
	_ =	sdelay $0x1  }
0xd9: {  	v3 =	vperm.xlane v3, v2;
	_ =	sdelay $0x1  }
0xda: {  	v3 =	vadd.s32 v1, v3  }
0xdb: {  	[hbm4b:s3+s2] =	stream.indirect_vreg.scatter [tilespmem:s25], [sflag:$0x2], $0x80, v4, vm0, $0xb8;
	[tilespmem:$0xC100] =	vst v63  }
0xdc: {  	_ = 	snop  }
0xdd: {  	[hbm4b:s4+s2] =	stream.indirect_vreg.scatter [tilespmem:s26], [sflag:$0x2], $0x80, v4, vm1, $0xb8;
	[tilespmem:$0xC100] =	vst v63  }
0xde: {  	_ = 	snop  }
0xdf: {  	[hbm4b:s3+s2] =	stream.indirect_vreg.scatter [tilespmem:s28], [sflag:$0x2], $0x80, v3, vm0, $0xb8;
	[tilespmem:$0xC100] =	vst v63  }
0xe0: {  	_ = 	snop  }
0xe1: {  	[hbm4b:s4+s2] =	stream.indirect_vreg.scatter [tilespmem:s29], [sflag:$0x2], $0x80, v3, vm1, $0xb8;
	[tilespmem:$0xC100] =	vst v63  }
0xe2: {  	v3 =	vld [tilespmem:$0xC0C0];
	_ =	sdelay $0x4  }
0xe3: {  	v60 =	vshrl.u32 v3, $0x3  }
0xe4: {  	v4 =	vmul.u32 $0x18, v60  }
0xe5: {  	v3 =	vand.u32 $0x7, v3  }
0xe6: {  	v3 =	vor.u32 v3, v4  }
0xe7: {  	v4 =	vperm.xlane v3, v0;
	_ =	sdelay $0x1  }
0xe8: {  	v4 =	vadd.s32 v1, v4;
	_ =	sdelay $0x1  }
0xe9: {  	v3 =	vperm.xlane v3, v2;
	_ =	sdelay $0x1  }
0xea: {  	v3 =	vadd.s32 v1, v3  }
0xeb: {  	[hbm4b:s3+s2] =	stream.indirect_vreg.scatter [tilespmem:s30], [sflag:$0x2], $0x80, v4, vm0, $0xb8;
	[tilespmem:$0xC100] =	vst v63  }
0xec: {  	_ = 	snop  }
0xed: {  	[hbm4b:s4+s2] =	stream.indirect_vreg.scatter [tilespmem:s31], [sflag:$0x2], $0x80, v4, vm1, $0xb8;
	[tilespmem:$0xC100] =	vst v63  }
0xee: {  	s14 =	simm.s32 $0x6C00  }
0xef: {  	[hbm4b:s3+s2] =	stream.indirect_vreg.scatter [tilespmem:s14], [sflag:$0x2], $0x80, v3, vm0, $0xb8;
	[tilespmem:$0xC100] =	vst v63  }
0xf0: {  	_ = 	snop  }
0xf1: {  	[hbm4b:s4+s2] =	stream.indirect_vreg.scatter [tilespmem:s1], [sflag:$0x2], $0x80, v3, vm1, $0xb8;
	[tilespmem:$0xC100] =	vst v63  }
0xf2: {  	v3 =	vld [tilespmem:$0xC0D0];
	_ =	sdelay $0x4  }
0xf3: {  	v61 =	vshrl.u32 v3, $0x3  }
0xf4: {  	v4 =	vmul.u32 $0x18, v61  }
0xf5: {  	v3 =	vand.u32 $0x7, v3  }
0xf6: {  	v3 =	vor.u32 v3, v4  }
0xf7: {  	v4 =	vperm.xlane v3, v0;
	_ =	sdelay $0x1  }
0xf8: {  	v4 =	vadd.s32 v1, v4;
	_ =	sdelay $0x1  }
0xf9: {  	v3 =	vperm.xlane v3, v2;
	_ =	sdelay $0x1  }
0xfa: {  	v3 =	vadd.s32 v1, v3  }
0xfb: {  	[hbm4b:s3+s2] =	stream.indirect_vreg.scatter [tilespmem:s7], [sflag:$0x2], $0x80, v4, vm0, $0xb8;
	[tilespmem:$0xC100] =	vst v63  }
0xfc: {  	_ = 	snop  }
0xfd: {  	[hbm4b:s4+s2] =	stream.indirect_vreg.scatter [tilespmem:s8], [sflag:$0x2], $0x80, v4, vm1, $0xb8;
	[tilespmem:$0xC100] =	vst v63  }
0xfe: {  	_ = 	snop  }
0xff: {  	[hbm4b:s3+s2] =	stream.indirect_vreg.scatter [tilespmem:s9], [sflag:$0x2], $0x80, v3, vm0, $0xb8;
	[tilespmem:$0xC100] =	vst v63  }
0x100: {  	_ = 	snop  }
0x101: {  	[hbm4b:s4+s2] =	stream.indirect_vreg.scatter [tilespmem:s10], [sflag:$0x2], $0x80, v3, vm1, $0xb8;
	[tilespmem:$0xC100] =	vst v63  }
0x102: {  	v3 =	vld [tilespmem:$0xC0E0];
	_ =	sdelay $0x4  }
0x103: {  	v62 =	vshrl.u32 v3, $0x3  }
0x104: {  	v4 =	vmul.u32 $0x18, v62  }
0x105: {  	v3 =	vand.u32 $0x7, v3  }
0x106: {  	v3 =	vor.u32 v3, v4  }
0x107: {  	v4 =	vperm.xlane v3, v0;
	_ =	sdelay $0x1  }
0x108: {  	v4 =	vadd.s32 v1, v4;
	_ =	sdelay $0x1  }
0x109: {  	v3 =	vperm.xlane v3, v2;
	_ =	sdelay $0x1  }
0x10a: {  	v3 =	vadd.s32 v1, v3  }
0x10b: {  	[hbm4b:s3+s2] =	stream.indirect_vreg.scatter [tilespmem:s11], [sflag:$0x2], $0x80, v4, vm0, $0xb8;
	[tilespmem:$0xC100] =	vst v63  }
0x10c: {  	_ = 	snop  }
0x10d: {  	[hbm4b:s4+s2] =	stream.indirect_vreg.scatter [tilespmem:s12], [sflag:$0x2], $0x80, v4, vm1, $0xb8;
	[tilespmem:$0xC100] =	vst v63  }
0x10e: {  	_ = 	snop  }
0x10f: {  	[hbm4b:s3+s2] =	stream.indirect_vreg.scatter [tilespmem:s13], [sflag:$0x2], $0x80, v3, vm0, $0xb8;
	[tilespmem:$0xC100] =	vst v63  }
0x110: {  	s15 =	simm.s32 $0xA400  }
0x111: {  	[hbm4b:s4+s2] =	stream.indirect_vreg.scatter [tilespmem:s15], [sflag:$0x2], $0x80, v3, vm1, $0xb8;
	[tilespmem:$0xC100] =	vst v63  }
0x112: {  	v3 =	vld [tilespmem:$0xC0F0];
	_ =	sdelay $0x4  }
0x113: {  	v63 =	vshrl.u32 v3, $0x3  }
0x114: {  	v4 =	vmul.u32 $0x18, v63  }
0x115: {  	v3 =	vand.u32 $0x7, v3  }
0x116: {  	v3 =	vor.u32 v3, v4  }
0x117: {  	v4 =	vperm.xlane v3, v0;
	_ =	sdelay $0x1  }
0x118: {  	v4 =	vadd.s32 v1, v4;
	_ =	sdelay $0x1  }
0x119: {  	v3 =	vperm.xlane v3, v2;
	_ =	sdelay $0x1  }
0x11a: {  	s14 =	simm.s32 $0xA800;
	v3 =	vadd.s32 v1, v3  }
0x11b: {  	[hbm4b:s3+s2] =	stream.indirect_vreg.scatter [tilespmem:s14], [sflag:$0x2], $0x80, v4, vm0, $0xb8;
	[tilespmem:$0xC100] =	vst v63  }
0x11c: {  	s15 =	simm.s32 $0xB000  }
0x11d: {  	[hbm4b:s4+s2] =	stream.indirect_vreg.scatter [tilespmem:s15], [sflag:$0x2], $0x80, v4, vm1, $0xb8;
	[tilespmem:$0xC100] =	vst v63  }
0x11e: {  	s14 =	simm.s32 $0xB400  }
0x11f: {  	[hbm4b:s3+s2] =	stream.indirect_vreg.scatter [tilespmem:s14], [sflag:$0x2], $0x80, v3, vm0, $0xb8;
	[tilespmem:$0xC100] =	vst v63  }
0x120: {  	s15 =	simm.s32 $0xBC00;
	s14 =	simm.s32 $0x1  }
0x121: {  	[hbm4b:s4+s2] =	stream.indirect_vreg.scatter [tilespmem:s15], [sflag:$0x2], $0x80, v3, vm1, $0xb8;
	[tilespmem:$0xC100] =	vst v63  }
0x122: {  	p0 =	sne.s32 s5, $0x1;
	_ =	swait.ge [sflag:s14], $0xC000  }
.Ltmp0:
0x123: {  	[sflag:s14] =	ssyncset.done $0x0;
	(pc) =	sbr.rel @p0 .LBB2_1-.Ltmp0, $4  }
0x124: {  	s15 =	simm.s32 $0x2;
	[sflag:s14] =	ssyncadd.s32 $0xFFFF4000  }
0x125: {  	_ =	swait.ge [sflag:s15], $0xC000  }
0x126: {  	[sflag:s15] =	ssyncset.done $0x0  }
0x127: {  	s5 =	sadd.s32 $0xFFFFFFFF, s5;
	[sflag:s15] =	ssyncadd.s32 $0xFFFF4000  }
0x128: {  	_ =	sfence.sel $0x180000  }
0x129: {  	[bflag:$0x0] =	sbarrier.arrive $0xFFFF  }
0x12a: {  	_ =	strace $0x90000047  }
0x12b: {  	s0 =	stileid.u32;
	[bflag:$0x2] =	sbarrier.arrive $0xFFFF  }
0x12c: {  	p0 =	sne.s32 s0, $0x0;
	s0 =	rddreg [dreg:$0x2]  }
0x12d: {  	s0 =	sadd.s32 @!p0 $0x100000, s0  }
0x12e: {  	[sflag:s0] =	ssyncadd.tile.s32 @!p0 $0x1;
	_ =	shalt  }
.Lfunc_end2:
_tile_overlayer_lowered:
.L_overlay_start_2:
0x12f: {  	(tag) =	ssettag $0x2  }
0x130: {  	s0 =	rddreg [dreg:$0x0];
	s2 =	stileid.u32  }
0x131: {  	s1 =	rddreg [dreg:$0x1];
	p0 =	sne.s32 s2, $0x0  }
0x132: {  	s3 =	rddreg [dreg:$0x2];
	[bflag:$0x3] =	sbarrier.arrive $0xFFFF;
	s2 =	simm.s32 @!p0 $0x1C03  }
0x133: {  	[timem:s3], [sflag:s2] =	dma.local @!p0 [hbm:s0], s1  }
0x134: {  	s0 =	simm.s32 @!p0 $0x3  }
0x135: {  	_ =	swait.ge @!p0 [sflag:s0], s1  }
0x136: {  	s1 =	ssub.s32 @!p0 $0x0, s1;
	[sflag:s0] =	ssyncset.done @!p0 $0x0  }
0x137: {  	[sflag:s0] =	ssyncadd.s32 @!p0 s1  }
0x138: {  	[bflag:$0x3] =	sbarrier.arrive $0xFFFF  }
0x139: {  	_ =	shalt  }

</sc_bundles>
